<compile_context>
chip_gen: v7x
topology: tpu7x:2x2x1
jax: 0.10.2.dev20260603
libtpu: 0.0.44.dev20260713+nightly
codegen_flags: <defaults>
</compile_context>

<pallas_src>
import jax
import jax.numpy as jnp
from jax import lax
from jax.experimental import pallas as pl
from jax.experimental.pallas import tpu as pltpu
from jax.experimental.pallas import tpu_sc as plsc

_EMB = 64
_SCALE = 8.0

_NC = 2
_NS = 16
_NW = _NC * _NS

_CHUNK = 640
_DMA_ROWS = 128
_K = _CHUNK // _DMA_ROWS


def _emb_body(tokens_hbm, table_hbm, out_hbm,
              idx_all, rows0, rows1, gsem0, gsem1, osem0, osem1):
    n_tok = tokens_hbm.shape[0]
    per_w = n_tok // _NW
    n_chunks = per_w // _CHUNK
    n2 = n_chunks // 2
    wid = lax.axis_index("s") * _NC + lax.axis_index("c")
    base = wid * per_w

    rows = (rows0, rows1)
    gsem = (gsem0, gsem1)
    osem = (osem0, osem1)

    pltpu.sync_copy(tokens_hbm.at[pl.ds(base, per_w)], idx_all)

    def start_gather(gg, b):
        for j in range(_K):
            pltpu.async_copy(
                table_hbm.at[idx_all.at[pl.ds(gg * _CHUNK + j * _DMA_ROWS,
                                              _DMA_ROWS)]],
                rows[b].at[pl.ds(j * _DMA_ROWS, _DMA_ROWS)],
                gsem[b],
            )

    def wait_gather(b):
        pltpu.make_async_copy(table_hbm.at[pl.ds(0, _CHUNK)], rows[b],
                              gsem[b]).wait()

    def start_outcopy(gg, b):
        pltpu.async_copy(rows[b], out_hbm.at[pl.ds(base + gg * _CHUNK, _CHUNK)],
                         osem[b])

    def wait_outcopy(b):
        pltpu.make_async_copy(rows[b], out_hbm.at[pl.ds(0, _CHUNK)],
                              osem[b]).wait()

    def scale(b):
        buf = rows[b]

        def srow(i, c):
            r = i * 4
            for dr in range(4):
                for c4 in range(_EMB // 16):
                    sl = pl.ds(c4 * 16, 16)
                    buf[r + dr, sl] = buf[r + dr, sl] * _SCALE
            return c

        lax.fori_loop(0, _CHUNK // 4, srow, 0)

    start_gather(0, 0)

    def outer(g2, carry):
        gg0 = 2 * g2

        @pl.when(g2 > 0)
        def _():
            wait_outcopy(1)
        start_gather(gg0 + 1, 1)
        wait_gather(0)
        scale(0)
        start_outcopy(gg0, 0)

        @pl.when(g2 < n2 - 1)
        def _():
            wait_outcopy(0)
            start_gather(gg0 + 2, 0)
        wait_gather(1)
        scale(1)
        start_outcopy(gg0 + 1, 1)
        return carry

    lax.fori_loop(0, n2, outer, 0)
    wait_outcopy(0)
    wait_outcopy(1)


def kernel(tokens, table):
    b, l = tokens.shape
    n_tok = b * l
    flat = tokens.reshape(n_tok)
    per_w = n_tok // _NW
    mesh = plsc.VectorSubcoreMesh(core_axis_name="c", subcore_axis_name="s")
    out = pl.kernel(
        _emb_body,
        out_type=jax.ShapeDtypeStruct((n_tok, _EMB), jnp.float32),
        mesh=mesh,
        scratch_types=[
            pltpu.VMEM((per_w,), jnp.int32),
            pltpu.VMEM((_CHUNK, _EMB), jnp.float32),
            pltpu.VMEM((_CHUNK, _EMB), jnp.float32),
            pltpu.SemaphoreType.DMA,
            pltpu.SemaphoreType.DMA,
            pltpu.SemaphoreType.DMA,
            pltpu.SemaphoreType.DMA,
        ],
        compiler_params=pltpu.CompilerParams(use_tc_tiling_on_sc=False),
    )(flat, table)
    return out.reshape(b, l, _EMB)

# --- scband reference (transcript-rebuilt; emitter-appended) ---
"""Pipeline reference for scband-embedding-59055800320550 (READ-ONLY COPY).

The authoritative reference and input builder live on the scoring server;
editing this copy changes nothing except your own understanding.
"""

import jax, jax.numpy as jnp
import numpy as np
import math

VOCAB = 1000000
EMB = 64
B = 4096
L = 200

def setup_inputs(seed: int = 0) -> dict:
    key = jax.random.key(seed)
    k_tok, k_tab = jax.random.split(key)
    tokens = jax.random.randint(k_tok, (B, L), 0, VOCAB, dtype=jnp.int64 if jax.config.jax_enable_x64 else jnp.int32).astype(jnp.int32)
    table = jax.random.normal(k_tab, (VOCAB, EMB), dtype=jnp.float32)
    return {"tokens": tokens, "table": table}

def reference(tokens, table):
    # Faithful to: self.embedding(tokens.long()) * math.sqrt(self.emb_size)
    emb = jnp.take(table, tokens, axis=0)
    return emb * math.sqrt(EMB)

if __name__ == "__main__":
    import jax
    _d = setup_inputs()
    print(jax.jit(kernel)(*tuple(_d.values())))

</pallas_src>

<mosaic_0001>
#map = affine_map<(d0, d1) -> (0)>
#map1 = affine_map<(d0, d1) -> (0, 0)>
module attributes {stable_mosaic.version = 14 : i64} {
  func.func @_emb_body(%arg0: i32, %arg1: i32, %arg2: memref<819200xi32, #tpu.memory_space<hbm>>, %arg3: memref<1000000x64xf32, #tpu.memory_space<hbm>>, %arg4: memref<819200x64xf32, #tpu.memory_space<hbm>>, %arg5: memref<25600xi32, #tpu.memory_space<vmem>>, %arg6: memref<640x64xf32, #tpu.memory_space<vmem>>, %arg7: memref<640x64xf32, #tpu.memory_space<vmem>>, %arg8: memref<!tpu.dma_semaphore, #tpu.memory_space<semaphore_mem>>, %arg9: memref<!tpu.dma_semaphore, #tpu.memory_space<semaphore_mem>>, %arg10: memref<!tpu.dma_semaphore, #tpu.memory_space<semaphore_mem>>, %arg11: memref<!tpu.dma_semaphore, #tpu.memory_space<semaphore_mem>>) attributes {dimension_semantics = [#tpu.dimension_semantics<core_parallel>, #tpu.dimension_semantics<subcore_parallel>], iteration_bounds = array<i64: 2, 16>, scalar_prefetch = 0 : i64, scratch_operands = 7 : i64, tpu.core_type = #tpu.core_type<sc_vector_subcore>, window_params = [{transform_indices = #map}, {transform_indices = #map1}, {transform_indices = #map1}]} {
    %mul3A = arith.constant 2 : i32
    %mul3A_0 = arith.muli %arg1, %mul3A : i32
    %add3A = arith.addi %mul3A_0, %arg0 : i32
    %mul3A_1 = arith.constant 25600 : i32
    %mul3A_2 = arith.muli %add3A, %mul3A_1 : i32
    "tpu.region"() ({
      %run_scoped3A = tpu.sem_alloc : memref<!tpu.dma_semaphore, #tpu.memory_space<semaphore_mem>>
      %dma_start3A_58 = tpu.memref_slice %arg2[%mul3A_2] : memref<819200xi32, #tpu.memory_space<hbm>> -> memref<25600xi32, #tpu.memory_space<hbm>>
      %dma_start3A_59 = tpu.memref_slice %arg2[%mul3A_2] : memref<819200xi32, #tpu.memory_space<hbm>> -> memref<25600xi32, #tpu.memory_space<hbm>>
      tpu.enqueue_dma source(%dma_start3A_59 : memref<25600xi32, #tpu.memory_space<hbm>>) target(%arg5 : memref<25600xi32, #tpu.memory_space<vmem>>) target_semaphore(%run_scoped3A : memref<!tpu.dma_semaphore, #tpu.memory_space<semaphore_mem>>)
      %dma_wait3A_60 = tpu.memref_slice %arg2[%mul3A_2] : memref<819200xi32, #tpu.memory_space<hbm>> -> memref<25600xi32, #tpu.memory_space<hbm>>
      %dma_wait3A_61 = tpu.memref_slice %arg2[%mul3A_2] : memref<819200xi32, #tpu.memory_space<hbm>> -> memref<25600xi32, #tpu.memory_space<hbm>>
      tpu.wait_dma2 semaphore(%run_scoped3A : memref<!tpu.dma_semaphore, #tpu.memory_space<semaphore_mem>>) src(%dma_wait3A_61 : memref<25600xi32, #tpu.memory_space<hbm>>) dst(%arg5 : memref<25600xi32, #tpu.memory_space<vmem>>)
      tpu.yield
    }) : () -> ()
    %dma_start3A = arith.constant 0 : i32
    %dma_start3A_3 = arith.constant 0 : i32
    %dma_start3A_4 = tpu.memref_slice %arg6[%dma_start3A, %dma_start3A_3] : memref<640x64xf32, #tpu.memory_space<vmem>> -> memref<128x64xf32, #tpu.memory_space<vmem>>
    %dma_start3A_5 = arith.constant 0 : i32
    %dma_start3A_6 = tpu.memref_slice %arg5[%dma_start3A_5] : memref<25600xi32, #tpu.memory_space<vmem>> -> memref<128xi32, #tpu.memory_space<vmem>>
    %dma_start3A_7 = arith.constant 0 : i32
    %dma_start3A_8 = arith.constant 0 : i32
    %dma_start3A_9 = tpu.memref_slice %arg3[%dma_start3A_7, %dma_start3A_8] : memref<1000000x64xf32, #tpu.memory_space<hbm>> -> memref<1000000x64xf32, #tpu.memory_space<hbm>>
    tpu.enqueue_indirect_dma source(%dma_start3A_9 : memref<1000000x64xf32, #tpu.memory_space<hbm>>) target(%dma_start3A_4 : memref<128x64xf32, #tpu.memory_space<vmem>>) offsets(%dma_start3A_6 : memref<128xi32, #tpu.memory_space<vmem>>) semaphore(%arg8 : memref<!tpu.dma_semaphore, #tpu.memory_space<semaphore_mem>>)
    %dma_start3A_10 = arith.constant 128 : i32
    %dma_start3A_11 = arith.constant 0 : i32
    %dma_start3A_12 = tpu.memref_slice %arg6[%dma_start3A_10, %dma_start3A_11] : memref<640x64xf32, #tpu.memory_space<vmem>> -> memref<128x64xf32, #tpu.memory_space<vmem>>
    %dma_start3A_13 = arith.constant 128 : i32
    %dma_start3A_14 = tpu.memref_slice %arg5[%dma_start3A_13] : memref<25600xi32, #tpu.memory_space<vmem>> -> memref<128xi32, #tpu.memory_space<vmem>>
    %dma_start3A_15 = arith.constant 0 : i32
    %dma_start3A_16 = arith.constant 0 : i32
    %dma_start3A_17 = tpu.memref_slice %arg3[%dma_start3A_15, %dma_start3A_16] : memref<1000000x64xf32, #tpu.memory_space<hbm>> -> memref<1000000x64xf32, #tpu.memory_space<hbm>>
    tpu.enqueue_indirect_dma source(%dma_start3A_17 : memref<1000000x64xf32, #tpu.memory_space<hbm>>) target(%dma_start3A_12 : memref<128x64xf32, #tpu.memory_space<vmem>>) offsets(%dma_start3A_14 : memref<128xi32, #tpu.memory_space<vmem>>) semaphore(%arg8 : memref<!tpu.dma_semaphore, #tpu.memory_space<semaphore_mem>>)
    %dma_start3A_18 = arith.constant 256 : i32
    %dma_start3A_19 = arith.constant 0 : i32
    %dma_start3A_20 = tpu.memref_slice %arg6[%dma_start3A_18, %dma_start3A_19] : memref<640x64xf32, #tpu.memory_space<vmem>> -> memref<128x64xf32, #tpu.memory_space<vmem>>
    %dma_start3A_21 = arith.constant 256 : i32
    %dma_start3A_22 = tpu.memref_slice %arg5[%dma_start3A_21] : memref<25600xi32, #tpu.memory_space<vmem>> -> memref<128xi32, #tpu.memory_space<vmem>>
    %dma_start3A_23 = arith.constant 0 : i32
    %dma_start3A_24 = arith.constant 0 : i32
    %dma_start3A_25 = tpu.memref_slice %arg3[%dma_start3A_23, %dma_start3A_24] : memref<1000000x64xf32, #tpu.memory_space<hbm>> -> memref<1000000x64xf32, #tpu.memory_space<hbm>>
    tpu.enqueue_indirect_dma source(%dma_start3A_25 : memref<1000000x64xf32, #tpu.memory_space<hbm>>) target(%dma_start3A_20 : memref<128x64xf32, #tpu.memory_space<vmem>>) offsets(%dma_start3A_22 : memref<128xi32, #tpu.memory_space<vmem>>) semaphore(%arg8 : memref<!tpu.dma_semaphore, #tpu.memory_space<semaphore_mem>>)
    %dma_start3A_26 = arith.constant 384 : i32
    %dma_start3A_27 = arith.constant 0 : i32
    %dma_start3A_28 = tpu.memref_slice %arg6[%dma_start3A_26, %dma_start3A_27] : memref<640x64xf32, #tpu.memory_space<vmem>> -> memref<128x64xf32, #tpu.memory_space<vmem>>
    %dma_start3A_29 = arith.constant 384 : i32
    %dma_start3A_30 = tpu.memref_slice %arg5[%dma_start3A_29] : memref<25600xi32, #tpu.memory_space<vmem>> -> memref<128xi32, #tpu.memory_space<vmem>>
    %dma_start3A_31 = arith.constant 0 : i32
    %dma_start3A_32 = arith.constant 0 : i32
    %dma_start3A_33 = tpu.memref_slice %arg3[%dma_start3A_31, %dma_start3A_32] : memref<1000000x64xf32, #tpu.memory_space<hbm>> -> memref<1000000x64xf32, #tpu.memory_space<hbm>>
    tpu.enqueue_indirect_dma source(%dma_start3A_33 : memref<1000000x64xf32, #tpu.memory_space<hbm>>) target(%dma_start3A_28 : memref<128x64xf32, #tpu.memory_space<vmem>>) offsets(%dma_start3A_30 : memref<128xi32, #tpu.memory_space<vmem>>) semaphore(%arg8 : memref<!tpu.dma_semaphore, #tpu.memory_space<semaphore_mem>>)
    %dma_start3A_34 = arith.constant 512 : i32
    %dma_start3A_35 = arith.constant 0 : i32
    %dma_start3A_36 = tpu.memref_slice %arg6[%dma_start3A_34, %dma_start3A_35] : memref<640x64xf32, #tpu.memory_space<vmem>> -> memref<128x64xf32, #tpu.memory_space<vmem>>
    %dma_start3A_37 = arith.constant 512 : i32
    %dma_start3A_38 = tpu.memref_slice %arg5[%dma_start3A_37] : memref<25600xi32, #tpu.memory_space<vmem>> -> memref<128xi32, #tpu.memory_space<vmem>>
    %dma_start3A_39 = arith.constant 0 : i32
    %dma_start3A_40 = arith.constant 0 : i32
    %dma_start3A_41 = tpu.memref_slice %arg3[%dma_start3A_39, %dma_start3A_40] : memref<1000000x64xf32, #tpu.memory_space<hbm>> -> memref<1000000x64xf32, #tpu.memory_space<hbm>>
    tpu.enqueue_indirect_dma source(%dma_start3A_41 : memref<1000000x64xf32, #tpu.memory_space<hbm>>) target(%dma_start3A_36 : memref<128x64xf32, #tpu.memory_space<vmem>>) offsets(%dma_start3A_38 : memref<128xi32, #tpu.memory_space<vmem>>) semaphore(%arg8 : memref<!tpu.dma_semaphore, #tpu.memory_space<semaphore_mem>>)
    %scan3A = arith.constant 0 : i32
    %scan3A_42 = arith.constant 0 : i32
    %scan3A_43 = arith.constant 20 : i32
    %scan3A_44 = arith.addi %scan3A_42, %scan3A_43 : i32
    %scan3A_45 = arith.constant 1 : i32
    scf.for %scan3A_58 = %scan3A_42 to %scan3A_44 step %scan3A_45  : i32 {
      %mul3A_59 = arith.constant 2 : i32
      %mul3A_60 = arith.muli %mul3A_59, %scan3A_58 : i32
      %gt3A = arith.constant 0 : i32
      %gt3A_61 = arith.cmpi sgt, %scan3A_58, %gt3A : i32
      %convert_element_type3A = arith.extui %gt3A_61 : i1 to i32
      %cond3A = arith.constant 0 : i32
      %cond3A_62 = arith.cmpi ne, %convert_element_type3A, %cond3A : i32
      scf.if %cond3A_62 {
        %dma_wait3A_164 = arith.constant 0 : i32
        %dma_wait3A_165 = arith.constant 0 : i32
        %dma_wait3A_166 = tpu.memref_slice %arg4[%dma_wait3A_164, %dma_wait3A_165] : memref<819200x64xf32, #tpu.memory_space<hbm>> -> memref<640x64xf32, #tpu.memory_space<hbm>>
        %dma_wait3A_167 = arith.constant 0 : i32
        %dma_wait3A_168 = arith.constant 0 : i32
        %dma_wait3A_169 = tpu.memref_slice %arg4[%dma_wait3A_167, %dma_wait3A_168] : memref<819200x64xf32, #tpu.memory_space<hbm>> -> memref<640x64xf32, #tpu.memory_space<hbm>>
        tpu.wait_dma2 semaphore(%arg11 : memref<!tpu.dma_semaphore, #tpu.memory_space<semaphore_mem>>) src(%arg7 : memref<640x64xf32, #tpu.memory_space<vmem>>) dst(%dma_wait3A_169 : memref<640x64xf32, #tpu.memory_space<hbm>>)
      } else {
      }
      %add3A_63 = arith.constant 1 : i32
      %add3A_64 = arith.addi %mul3A_60, %add3A_63 : i32
      %mul3A_65 = arith.constant 640 : i32
      %mul3A_66 = arith.muli %add3A_64, %mul3A_65 : i32
      %add3A_67 = arith.constant 0 : i32
      %add3A_68 = arith.addi %mul3A_66, %add3A_67 : i32
      %dma_start3A_69 = arith.constant 0 : i32
      %dma_start3A_70 = arith.constant 0 : i32
      %dma_start3A_71 = tpu.memref_slice %arg7[%dma_start3A_69, %dma_start3A_70] : memref<640x64xf32, #tpu.memory_space<vmem>> -> memref<128x64xf32, #tpu.memory_space<vmem>>
      %dma_start3A_72 = tpu.memref_slice %arg5[%add3A_68] : memref<25600xi32, #tpu.memory_space<vmem>> -> memref<128xi32, #tpu.memory_space<vmem>>
      %dma_start3A_73 = arith.constant 0 : i32
      %dma_start3A_74 = arith.constant 0 : i32
      %dma_start3A_75 = tpu.memref_slice %arg3[%dma_start3A_73, %dma_start3A_74] : memref<1000000x64xf32, #tpu.memory_space<hbm>> -> memref<1000000x64xf32, #tpu.memory_space<hbm>>
      tpu.enqueue_indirect_dma source(%dma_start3A_75 : memref<1000000x64xf32, #tpu.memory_space<hbm>>) target(%dma_start3A_71 : memref<128x64xf32, #tpu.memory_space<vmem>>) offsets(%dma_start3A_72 : memref<128xi32, #tpu.memory_space<vmem>>) semaphore(%arg9 : memref<!tpu.dma_semaphore, #tpu.memory_space<semaphore_mem>>)
      %mul3A_76 = arith.constant 640 : i32
      %mul3A_77 = arith.muli %add3A_64, %mul3A_76 : i32
      %add3A_78 = arith.constant 128 : i32
      %add3A_79 = arith.addi %mul3A_77, %add3A_78 : i32
      %dma_start3A_80 = arith.constant 128 : i32
      %dma_start3A_81 = arith.constant 0 : i32
      %dma_start3A_82 = tpu.memref_slice %arg7[%dma_start3A_80, %dma_start3A_81] : memref<640x64xf32, #tpu.memory_space<vmem>> -> memref<128x64xf32, #tpu.memory_space<vmem>>
      %dma_start3A_83 = tpu.memref_slice %arg5[%add3A_79] : memref<25600xi32, #tpu.memory_space<vmem>> -> memref<128xi32, #tpu.memory_space<vmem>>
      %dma_start3A_84 = arith.constant 0 : i32
      %dma_start3A_85 = arith.constant 0 : i32
      %dma_start3A_86 = tpu.memref_slice %arg3[%dma_start3A_84, %dma_start3A_85] : memref<1000000x64xf32, #tpu.memory_space<hbm>> -> memref<1000000x64xf32, #tpu.memory_space<hbm>>
      tpu.enqueue_indirect_dma source(%dma_start3A_86 : memref<1000000x64xf32, #tpu.memory_space<hbm>>) target(%dma_start3A_82 : memref<128x64xf32, #tpu.memory_space<vmem>>) offsets(%dma_start3A_83 : memref<128xi32, #tpu.memory_space<vmem>>) semaphore(%arg9 : memref<!tpu.dma_semaphore, #tpu.memory_space<semaphore_mem>>)
      %mul3A_87 = arith.constant 640 : i32
      %mul3A_88 = arith.muli %add3A_64, %mul3A_87 : i32
      %add3A_89 = arith.constant 256 : i32
      %add3A_90 = arith.addi %mul3A_88, %add3A_89 : i32
      %dma_start3A_91 = arith.constant 256 : i32
      %dma_start3A_92 = arith.constant 0 : i32
      %dma_start3A_93 = tpu.memref_slice %arg7[%dma_start3A_91, %dma_start3A_92] : memref<640x64xf32, #tpu.memory_space<vmem>> -> memref<128x64xf32, #tpu.memory_space<vmem>>
      %dma_start3A_94 = tpu.memref_slice %arg5[%add3A_90] : memref<25600xi32, #tpu.memory_space<vmem>> -> memref<128xi32, #tpu.memory_space<vmem>>
      %dma_start3A_95 = arith.constant 0 : i32
      %dma_start3A_96 = arith.constant 0 : i32
      %dma_start3A_97 = tpu.memref_slice %arg3[%dma_start3A_95, %dma_start3A_96] : memref<1000000x64xf32, #tpu.memory_space<hbm>> -> memref<1000000x64xf32, #tpu.memory_space<hbm>>
      tpu.enqueue_indirect_dma source(%dma_start3A_97 : memref<1000000x64xf32, #tpu.memory_space<hbm>>) target(%dma_start3A_93 : memref<128x64xf32, #tpu.memory_space<vmem>>) offsets(%dma_start3A_94 : memref<128xi32, #tpu.memory_space<vmem>>) semaphore(%arg9 : memref<!tpu.dma_semaphore, #tpu.memory_space<semaphore_mem>>)
      %mul3A_98 = arith.constant 640 : i32
      %mul3A_99 = arith.muli %add3A_64, %mul3A_98 : i32
      %add3A_100 = arith.constant 384 : i32
      %add3A_101 = arith.addi %mul3A_99, %add3A_100 : i32
      %dma_start3A_102 = arith.constant 384 : i32
      %dma_start3A_103 = arith.constant 0 : i32
      %dma_start3A_104 = tpu.memref_slice %arg7[%dma_start3A_102, %dma_start3A_103] : memref<640x64xf32, #tpu.memory_space<vmem>> -> memref<128x64xf32, #tpu.memory_space<vmem>>
      %dma_start3A_105 = tpu.memref_slice %arg5[%add3A_101] : memref<25600xi32, #tpu.memory_space<vmem>> -> memref<128xi32, #tpu.memory_space<vmem>>
      %dma_start3A_106 = arith.constant 0 : i32
      %dma_start3A_107 = arith.constant 0 : i32
      %dma_start3A_108 = tpu.memref_slice %arg3[%dma_start3A_106, %dma_start3A_107] : memref<1000000x64xf32, #tpu.memory_space<hbm>> -> memref<1000000x64xf32, #tpu.memory_space<hbm>>
      tpu.enqueue_indirect_dma source(%dma_start3A_108 : memref<1000000x64xf32, #tpu.memory_space<hbm>>) target(%dma_start3A_104 : memref<128x64xf32, #tpu.memory_space<vmem>>) offsets(%dma_start3A_105 : memref<128xi32, #tpu.memory_space<vmem>>) semaphore(%arg9 : memref<!tpu.dma_semaphore, #tpu.memory_space<semaphore_mem>>)
      %mul3A_109 = arith.constant 640 : i32
      %mul3A_110 = arith.muli %add3A_64, %mul3A_109 : i32
      %add3A_111 = arith.constant 512 : i32
      %add3A_112 = arith.addi %mul3A_110, %add3A_111 : i32
      %dma_start3A_113 = arith.constant 512 : i32
      %dma_start3A_114 = arith.constant 0 : i32
      %dma_start3A_115 = tpu.memref_slice %arg7[%dma_start3A_113, %dma_start3A_114] : memref<640x64xf32, #tpu.memory_space<vmem>> -> memref<128x64xf32, #tpu.memory_space<vmem>>
      %dma_start3A_116 = tpu.memref_slice %arg5[%add3A_112] : memref<25600xi32, #tpu.memory_space<vmem>> -> memref<128xi32, #tpu.memory_space<vmem>>
      %dma_start3A_117 = arith.constant 0 : i32
      %dma_start3A_118 = arith.constant 0 : i32
      %dma_start3A_119 = tpu.memref_slice %arg3[%dma_start3A_117, %dma_start3A_118] : memref<1000000x64xf32, #tpu.memory_space<hbm>> -> memref<1000000x64xf32, #tpu.memory_space<hbm>>
      tpu.enqueue_indirect_dma source(%dma_start3A_119 : memref<1000000x64xf32, #tpu.memory_space<hbm>>) target(%dma_start3A_115 : memref<128x64xf32, #tpu.memory_space<vmem>>) offsets(%dma_start3A_116 : memref<128xi32, #tpu.memory_space<vmem>>) semaphore(%arg9 : memref<!tpu.dma_semaphore, #tpu.memory_space<semaphore_mem>>)
      %dma_wait3A_120 = arith.constant 0 : i32
      %dma_wait3A_121 = arith.constant 0 : i32
      %dma_wait3A_122 = tpu.memref_slice %arg3[%dma_wait3A_120, %dma_wait3A_121] : memref<1000000x64xf32, #tpu.memory_space<hbm>> -> memref<640x64xf32, #tpu.memory_space<hbm>>
      %dma_wait3A_123 = arith.constant 0 : i32
      %dma_wait3A_124 = arith.constant 0 : i32
      %dma_wait3A_125 = tpu.memref_slice %arg3[%dma_wait3A_123, %dma_wait3A_124] : memref<1000000x64xf32, #tpu.memory_space<hbm>> -> memref<640x64xf32, #tpu.memory_space<hbm>>
      tpu.wait_dma2 semaphore(%arg8 : memref<!tpu.dma_semaphore, #tpu.memory_space<semaphore_mem>>) src(%dma_wait3A_125 : memref<640x64xf32, #tpu.memory_space<hbm>>) dst(%arg6 : memref<640x64xf32, #tpu.memory_space<vmem>>)
      %scan3A_126 = arith.constant 0 : i32
      %scan3A_127 = arith.constant 0 : i32
      %scan3A_128 = arith.constant 160 : i32
      %scan3A_129 = arith.addi %scan3A_127, %scan3A_128 : i32
      %scan3A_130 = arith.constant 1 : i32
      scf.for %scan3A_164 = %scan3A_127 to %scan3A_129 step %scan3A_130  : i32 {
        %mul3A_165 = arith.constant 4 : i32
        %mul3A_166 = arith.muli %scan3A_164, %mul3A_165 : i32
        %add3A_167 = arith.constant 0 : i32
        %add3A_168 = arith.addi %mul3A_166, %add3A_167 : i32
        %get3A = arith.index_cast %add3A_168 : i32 to index
        %get3A_169 = arith.constant 0 : index
        %get3A_170 = tpu.vector_load %arg6[%get3A, %get3A_169] {strides = array<i32>} : memref<640x64xf32, #tpu.memory_space<vmem>>, vector<1x16xf32>,
        %get3A_171 = vector.shape_cast %get3A_170 : vector<1x16xf32> to vector<16xf32>
        %mul3A_172 = arith.constant 8.000000e+00 : f32
        %mul3A_173 = vector.broadcast %mul3A_172 : f32 to vector<16xf32>
        %mul3A_174 = arith.mulf %get3A_171, %mul3A_173 : vector<16xf32>
        %add3A_175 = arith.constant 0 : i32
        %add3A_176 = arith.addi %mul3A_166, %add3A_175 : i32
        %swap3A = arith.index_cast %add3A_176 : i32 to index
        %swap3A_177 = arith.constant 0 : index
        %swap3A_178 = tpu.vector_load %arg6[%swap3A, %swap3A_177] {strides = array<i32>} : memref<640x64xf32, #tpu.memory_space<vmem>>, vector<1x16xf32>,
        %swap3A_179 = vector.shape_cast %swap3A_178 : vector<1x16xf32> to vector<16xf32>
        %swap3A_180 = vector.shape_cast %mul3A_174 : vector<16xf32> to vector<1x16xf32>
        tpu.vector_store %arg6[%swap3A, %swap3A_177], %swap3A_180 {strides = array<i32>} : memref<640x64xf32, #tpu.memory_space<vmem>>, vector<1x16xf32>,
        %add3A_181 = arith.constant 0 : i32
        %add3A_182 = arith.addi %mul3A_166, %add3A_181 : i32
        %get3A_183 = arith.index_cast %add3A_182 : i32 to index
        %get3A_184 = arith.constant 16 : index
        %get3A_185 = tpu.vector_load %arg6[%get3A_183, %get3A_184] {strides = array<i32>} : memref<640x64xf32, #tpu.memory_space<vmem>>, vector<1x16xf32>,
        %get3A_186 = vector.shape_cast %get3A_185 : vector<1x16xf32> to vector<16xf32>
        %mul3A_187 = arith.constant 8.000000e+00 : f32
        %mul3A_188 = vector.broadcast %mul3A_187 : f32 to vector<16xf32>
        %mul3A_189 = arith.mulf %get3A_186, %mul3A_188 : vector<16xf32>
        %add3A_190 = arith.constant 0 : i32
        %add3A_191 = arith.addi %mul3A_166, %add3A_190 : i32
        %swap3A_192 = arith.index_cast %add3A_191 : i32 to index
        %swap3A_193 = arith.constant 16 : index
        %swap3A_194 = tpu.vector_load %arg6[%swap3A_192, %swap3A_193] {strides = array<i32>} : memref<640x64xf32, #tpu.memory_space<vmem>>, vector<1x16xf32>,
        %swap3A_195 = vector.shape_cast %swap3A_194 : vector<1x16xf32> to vector<16xf32>
        %swap3A_196 = vector.shape_cast %mul3A_189 : vector<16xf32> to vector<1x16xf32>
        tpu.vector_store %arg6[%swap3A_192, %swap3A_193], %swap3A_196 {strides = array<i32>} : memref<640x64xf32, #tpu.memory_space<vmem>>, vector<1x16xf32>,
        %add3A_197 = arith.constant 0 : i32
        %add3A_198 = arith.addi %mul3A_166, %add3A_197 : i32
        %get3A_199 = arith.index_cast %add3A_198 : i32 to index
        %get3A_200 = arith.constant 32 : index
        %get3A_201 = tpu.vector_load %arg6[%get3A_199, %get3A_200] {strides = array<i32>} : memref<640x64xf32, #tpu.memory_space<vmem>>, vector<1x16xf32>,
        %get3A_202 = vector.shape_cast %get3A_201 : vector<1x16xf32> to vector<16xf32>
        %mul3A_203 = arith.constant 8.000000e+00 : f32
        %mul3A_204 = vector.broadcast %mul3A_203 : f32 to vector<16xf32>
        %mul3A_205 = arith.mulf %get3A_202, %mul3A_204 : vector<16xf32>
        %add3A_206 = arith.constant 0 : i32
        %add3A_207 = arith.addi %mul3A_166, %add3A_206 : i32
        %swap3A_208 = arith.index_cast %add3A_207 : i32 to index
        %swap3A_209 = arith.constant 32 : index
        %swap3A_210 = tpu.vector_load %arg6[%swap3A_208, %swap3A_209] {strides = array<i32>} : memref<640x64xf32, #tpu.memory_space<vmem>>, vector<1x16xf32>,
        %swap3A_211 = vector.shape_cast %swap3A_210 : vector<1x16xf32> to vector<16xf32>
        %swap3A_212 = vector.shape_cast %mul3A_205 : vector<16xf32> to vector<1x16xf32>
        tpu.vector_store %arg6[%swap3A_208, %swap3A_209], %swap3A_212 {strides = array<i32>} : memref<640x64xf32, #tpu.memory_space<vmem>>, vector<1x16xf32>,
        %add3A_213 = arith.constant 0 : i32
        %add3A_214 = arith.addi %mul3A_166, %add3A_213 : i32
        %get3A_215 = arith.index_cast %add3A_214 : i32 to index
        %get3A_216 = arith.constant 48 : index
        %get3A_217 = tpu.vector_load %arg6[%get3A_215, %get3A_216] {strides = array<i32>} : memref<640x64xf32, #tpu.memory_space<vmem>>, vector<1x16xf32>,
        %get3A_218 = vector.shape_cast %get3A_217 : vector<1x16xf32> to vector<16xf32>
        %mul3A_219 = arith.constant 8.000000e+00 : f32
        %mul3A_220 = vector.broadcast %mul3A_219 : f32 to vector<16xf32>
        %mul3A_221 = arith.mulf %get3A_218, %mul3A_220 : vector<16xf32>
        %add3A_222 = arith.constant 0 : i32
        %add3A_223 = arith.addi %mul3A_166, %add3A_222 : i32
        %swap3A_224 = arith.index_cast %add3A_223 : i32 to index
        %swap3A_225 = arith.constant 48 : index
        %swap3A_226 = tpu.vector_load %arg6[%swap3A_224, %swap3A_225] {strides = array<i32>} : memref<640x64xf32, #tpu.memory_space<vmem>>, vector<1x16xf32>,
        %swap3A_227 = vector.shape_cast %swap3A_226 : vector<1x16xf32> to vector<16xf32>
        %swap3A_228 = vector.shape_cast %mul3A_221 : vector<16xf32> to vector<1x16xf32>
        tpu.vector_store %arg6[%swap3A_224, %swap3A_225], %swap3A_228 {strides = array<i32>} : memref<640x64xf32, #tpu.memory_space<vmem>>, vector<1x16xf32>,
        %add3A_229 = arith.constant 1 : i32
        %add3A_230 = arith.addi %mul3A_166, %add3A_229 : i32
        %get3A_231 = arith.index_cast %add3A_230 : i32 to index
        %get3A_232 = arith.constant 0 : index
        %get3A_233 = tpu.vector_load %arg6[%get3A_231, %get3A_232] {strides = array<i32>} : memref<640x64xf32, #tpu.memory_space<vmem>>, vector<1x16xf32>,
        %get3A_234 = vector.shape_cast %get3A_233 : vector<1x16xf32> to vector<16xf32>
        %mul3A_235 = arith.constant 8.000000e+00 : f32
        %mul3A_236 = vector.broadcast %mul3A_235 : f32 to vector<16xf32>
        %mul3A_237 = arith.mulf %get3A_234, %mul3A_236 : vector<16xf32>
        %add3A_238 = arith.constant 1 : i32
        %add3A_239 = arith.addi %mul3A_166, %add3A_238 : i32
        %swap3A_240 = arith.index_cast %add3A_239 : i32 to index
        %swap3A_241 = arith.constant 0 : index
        %swap3A_242 = tpu.vector_load %arg6[%swap3A_240, %swap3A_241] {strides = array<i32>} : memref<640x64xf32, #tpu.memory_space<vmem>>, vector<1x16xf32>,
        %swap3A_243 = vector.shape_cast %swap3A_242 : vector<1x16xf32> to vector<16xf32>
        %swap3A_244 = vector.shape_cast %mul3A_237 : vector<16xf32> to vector<1x16xf32>
        tpu.vector_store %arg6[%swap3A_240, %swap3A_241], %swap3A_244 {strides = array<i32>} : memref<640x64xf32, #tpu.memory_space<vmem>>, vector<1x16xf32>,
        %add3A_245 = arith.constant 1 : i32
        %add3A_246 = arith.addi %mul3A_166, %add3A_245 : i32
        %get3A_247 = arith.index_cast %add3A_246 : i32 to index
        %get3A_248 = arith.constant 16 : index
        %get3A_249 = tpu.vector_load %arg6[%get3A_247, %get3A_248] {strides = array<i32>} : memref<640x64xf32, #tpu.memory_space<vmem>>, vector<1x16xf32>,
        %get3A_250 = vector.shape_cast %get3A_249 : vector<1x16xf32> to vector<16xf32>
        %mul3A_251 = arith.constant 8.000000e+00 : f32
        %mul3A_252 = vector.broadcast %mul3A_251 : f32 to vector<16xf32>
        %mul3A_253 = arith.mulf %get3A_250, %mul3A_252 : vector<16xf32>
        %add3A_254 = arith.constant 1 : i32
        %add3A_255 = arith.addi %mul3A_166, %add3A_254 : i32
        %swap3A_256 = arith.index_cast %add3A_255 : i32 to index
        %swap3A_257 = arith.constant 16 : index
        %swap3A_258 = tpu.vector_load %arg6[%swap3A_256, %swap3A_257] {strides = array<i32>} : memref<640x64xf32, #tpu.memory_space<vmem>>, vector<1x16xf32>,
        %swap3A_259 = vector.shape_cast %swap3A_258 : vector<1x16xf32> to vector<16xf32>
        %swap3A_260 = vector.shape_cast %mul3A_253 : vector<16xf32> to vector<1x16xf32>
        tpu.vector_store %arg6[%swap3A_256, %swap3A_257], %swap3A_260 {strides = array<i32>} : memref<640x64xf32, #tpu.memory_space<vmem>>, vector<1x16xf32>,
        %add3A_261 = arith.constant 1 : i32
        %add3A_262 = arith.addi %mul3A_166, %add3A_261 : i32
        %get3A_263 = arith.index_cast %add3A_262 : i32 to index
        %get3A_264 = arith.constant 32 : index
        %get3A_265 = tpu.vector_load %arg6[%get3A_263, %get3A_264] {strides = array<i32>} : memref<640x64xf32, #tpu.memory_space<vmem>>, vector<1x16xf32>,
        %get3A_266 = vector.shape_cast %get3A_265 : vector<1x16xf32> to vector<16xf32>
        %mul3A_267 = arith.constant 8.000000e+00 : f32
        %mul3A_268 = vector.broadcast %mul3A_267 : f32 to vector<16xf32>
        %mul3A_269 = arith.mulf %get3A_266, %mul3A_268 : vector<16xf32>
        %add3A_270 = arith.constant 1 : i32
        %add3A_271 = arith.addi %mul3A_166, %add3A_270 : i32
        %swap3A_272 = arith.index_cast %add3A_271 : i32 to index
        %swap3A_273 = arith.constant 32 : index
        %swap3A_274 = tpu.vector_load %arg6[%swap3A_272, %swap3A_273] {strides = array<i32>} : memref<640x64xf32, #tpu.memory_space<vmem>>, vector<1x16xf32>,
        %swap3A_275 = vector.shape_cast %swap3A_274 : vector<1x16xf32> to vector<16xf32>
        %swap3A_276 = vector.shape_cast %mul3A_269 : vector<16xf32> to vector<1x16xf32>
        tpu.vector_store %arg6[%swap3A_272, %swap3A_273], %swap3A_276 {strides = array<i32>} : memref<640x64xf32, #tpu.memory_space<vmem>>, vector<1x16xf32>,
        %add3A_277 = arith.constant 1 : i32
        %add3A_278 = arith.addi %mul3A_166, %add3A_277 : i32
        %get3A_279 = arith.index_cast %add3A_278 : i32 to index
        %get3A_280 = arith.constant 48 : index
        %get3A_281 = tpu.vector_load %arg6[%get3A_279, %get3A_280] {strides = array<i32>} : memref<640x64xf32, #tpu.memory_space<vmem>>, vector<1x16xf32>,
        %get3A_282 = vector.shape_cast %get3A_281 : vector<1x16xf32> to vector<16xf32>
        %mul3A_283 = arith.constant 8.000000e+00 : f32
        %mul3A_284 = vector.broadcast %mul3A_283 : f32 to vector<16xf32>
        %mul3A_285 = arith.mulf %get3A_282, %mul3A_284 : vector<16xf32>
        %add3A_286 = arith.constant 1 : i32
        %add3A_287 = arith.addi %mul3A_166, %add3A_286 : i32
        %swap3A_288 = arith.index_cast %add3A_287 : i32 to index
        %swap3A_289 = arith.constant 48 : index
        %swap3A_290 = tpu.vector_load %arg6[%swap3A_288, %swap3A_289] {strides = array<i32>} : memref<640x64xf32, #tpu.memory_space<vmem>>, vector<1x16xf32>,
        %swap3A_291 = vector.shape_cast %swap3A_290 : vector<1x16xf32> to vector<16xf32>
        %swap3A_292 = vector.shape_cast %mul3A_285 : vector<16xf32> to vector<1x16xf32>
        tpu.vector_store %arg6[%swap3A_288, %swap3A_289], %swap3A_292 {strides = array<i32>} : memref<640x64xf32, #tpu.memory_space<vmem>>, vector<1x16xf32>,
        %add3A_293 = arith.constant 2 : i32
        %add3A_294 = arith.addi %mul3A_166, %add3A_293 : i32
        %get3A_295 = arith.index_cast %add3A_294 : i32 to index
        %get3A_296 = arith.constant 0 : index
        %get3A_297 = tpu.vector_load %arg6[%get3A_295, %get3A_296] {strides = array<i32>} : memref<640x64xf32, #tpu.memory_space<vmem>>, vector<1x16xf32>,
        %get3A_298 = vector.shape_cast %get3A_297 : vector<1x16xf32> to vector<16xf32>
        %mul3A_299 = arith.constant 8.000000e+00 : f32
        %mul3A_300 = vector.broadcast %mul3A_299 : f32 to vector<16xf32>
        %mul3A_301 = arith.mulf %get3A_298, %mul3A_300 : vector<16xf32>
        %add3A_302 = arith.constant 2 : i32
        %add3A_303 = arith.addi %mul3A_166, %add3A_302 : i32
        %swap3A_304 = arith.index_cast %add3A_303 : i32 to index
        %swap3A_305 = arith.constant 0 : index
        %swap3A_306 = tpu.vector_load %arg6[%swap3A_304, %swap3A_305] {strides = array<i32>} : memref<640x64xf32, #tpu.memory_space<vmem>>, vector<1x16xf32>,
        %swap3A_307 = vector.shape_cast %swap3A_306 : vector<1x16xf32> to vector<16xf32>
        %swap3A_308 = vector.shape_cast %mul3A_301 : vector<16xf32> to vector<1x16xf32>
        tpu.vector_store %arg6[%swap3A_304, %swap3A_305], %swap3A_308 {strides = array<i32>} : memref<640x64xf32, #tpu.memory_space<vmem>>, vector<1x16xf32>,
        %add3A_309 = arith.constant 2 : i32
        %add3A_310 = arith.addi %mul3A_166, %add3A_309 : i32
        %get3A_311 = arith.index_cast %add3A_310 : i32 to index
        %get3A_312 = arith.constant 16 : index
        %get3A_313 = tpu.vector_load %arg6[%get3A_311, %get3A_312] {strides = array<i32>} : memref<640x64xf32, #tpu.memory_space<vmem>>, vector<1x16xf32>,
        %get3A_314 = vector.shape_cast %get3A_313 : vector<1x16xf32> to vector<16xf32>
        %mul3A_315 = arith.constant 8.000000e+00 : f32
        %mul3A_316 = vector.broadcast %mul3A_315 : f32 to vector<16xf32>
        %mul3A_317 = arith.mulf %get3A_314, %mul3A_316 : vector<16xf32>
        %add3A_318 = arith.constant 2 : i32
        %add3A_319 = arith.addi %mul3A_166, %add3A_318 : i32
        %swap3A_320 = arith.index_cast %add3A_319 : i32 to index
        %swap3A_321 = arith.constant 16 : index
        %swap3A_322 = tpu.vector_load %arg6[%swap3A_320, %swap3A_321] {strides = array<i32>} : memref<640x64xf32, #tpu.memory_space<vmem>>, vector<1x16xf32>,
        %swap3A_323 = vector.shape_cast %swap3A_322 : vector<1x16xf32> to vector<16xf32>
        %swap3A_324 = vector.shape_cast %mul3A_317 : vector<16xf32> to vector<1x16xf32>
        tpu.vector_store %arg6[%swap3A_320, %swap3A_321], %swap3A_324 {strides = array<i32>} : memref<640x64xf32, #tpu.memory_space<vmem>>, vector<1x16xf32>,
        %add3A_325 = arith.constant 2 : i32
        %add3A_326 = arith.addi %mul3A_166, %add3A_325 : i32
        %get3A_327 = arith.index_cast %add3A_326 : i32 to index
        %get3A_328 = arith.constant 32 : index
        %get3A_329 = tpu.vector_load %arg6[%get3A_327, %get3A_328] {strides = array<i32>} : memref<640x64xf32, #tpu.memory_space<vmem>>, vector<1x16xf32>,
        %get3A_330 = vector.shape_cast %get3A_329 : vector<1x16xf32> to vector<16xf32>
        %mul3A_331 = arith.constant 8.000000e+00 : f32
        %mul3A_332 = vector.broadcast %mul3A_331 : f32 to vector<16xf32>
        %mul3A_333 = arith.mulf %get3A_330, %mul3A_332 : vector<16xf32>
        %add3A_334 = arith.constant 2 : i32
        %add3A_335 = arith.addi %mul3A_166, %add3A_334 : i32
        %swap3A_336 = arith.index_cast %add3A_335 : i32 to index
        %swap3A_337 = arith.constant 32 : index
        %swap3A_338 = tpu.vector_load %arg6[%swap3A_336, %swap3A_337] {strides = array<i32>} : memref<640x64xf32, #tpu.memory_space<vmem>>, vector<1x16xf32>,
        %swap3A_339 = vector.shape_cast %swap3A_338 : vector<1x16xf32> to vector<16xf32>
        %swap3A_340 = vector.shape_cast %mul3A_333 : vector<16xf32> to vector<1x16xf32>
        tpu.vector_store %arg6[%swap3A_336, %swap3A_337], %swap3A_340 {strides = array<i32>} : memref<640x64xf32, #tpu.memory_space<vmem>>, vector<1x16xf32>,
        %add3A_341 = arith.constant 2 : i32
        %add3A_342 = arith.addi %mul3A_166, %add3A_341 : i32
        %get3A_343 = arith.index_cast %add3A_342 : i32 to index
        %get3A_344 = arith.constant 48 : index
        %get3A_345 = tpu.vector_load %arg6[%get3A_343, %get3A_344] {strides = array<i32>} : memref<640x64xf32, #tpu.memory_space<vmem>>, vector<1x16xf32>,
        %get3A_346 = vector.shape_cast %get3A_345 : vector<1x16xf32> to vector<16xf32>
        %mul3A_347 = arith.constant 8.000000e+00 : f32
        %mul3A_348 = vector.broadcast %mul3A_347 : f32 to vector<16xf32>
        %mul3A_349 = arith.mulf %get3A_346, %mul3A_348 : vector<16xf32>
        %add3A_350 = arith.constant 2 : i32
        %add3A_351 = arith.addi %mul3A_166, %add3A_350 : i32
        %swap3A_352 = arith.index_cast %add3A_351 : i32 to index
        %swap3A_353 = arith.constant 48 : index
        %swap3A_354 = tpu.vector_load %arg6[%swap3A_352, %swap3A_353] {strides = array<i32>} : memref<640x64xf32, #tpu.memory_space<vmem>>, vector<1x16xf32>,
        %swap3A_355 = vector.shape_cast %swap3A_354 : vector<1x16xf32> to vector<16xf32>
        %swap3A_356 = vector.shape_cast %mul3A_349 : vector<16xf32> to vector<1x16xf32>
        tpu.vector_store %arg6[%swap3A_352, %swap3A_353], %swap3A_356 {strides = array<i32>} : memref<640x64xf32, #tpu.memory_space<vmem>>, vector<1x16xf32>,
        %add3A_357 = arith.constant 3 : i32
        %add3A_358 = arith.addi %mul3A_166, %add3A_357 : i32
        %get3A_359 = arith.index_cast %add3A_358 : i32 to index
        %get3A_360 = arith.constant 0 : index
        %get3A_361 = tpu.vector_load %arg6[%get3A_359, %get3A_360] {strides = array<i32>} : memref<640x64xf32, #tpu.memory_space<vmem>>, vector<1x16xf32>,
        %get3A_362 = vector.shape_cast %get3A_361 : vector<1x16xf32> to vector<16xf32>
        %mul3A_363 = arith.constant 8.000000e+00 : f32
        %mul3A_364 = vector.broadcast %mul3A_363 : f32 to vector<16xf32>
        %mul3A_365 = arith.mulf %get3A_362, %mul3A_364 : vector<16xf32>
        %add3A_366 = arith.constant 3 : i32
        %add3A_367 = arith.addi %mul3A_166, %add3A_366 : i32
        %swap3A_368 = arith.index_cast %add3A_367 : i32 to index
        %swap3A_369 = arith.constant 0 : index
        %swap3A_370 = tpu.vector_load %arg6[%swap3A_368, %swap3A_369] {strides = array<i32>} : memref<640x64xf32, #tpu.memory_space<vmem>>, vector<1x16xf32>,
        %swap3A_371 = vector.shape_cast %swap3A_370 : vector<1x16xf32> to vector<16xf32>
        %swap3A_372 = vector.shape_cast %mul3A_365 : vector<16xf32> to vector<1x16xf32>
        tpu.vector_store %arg6[%swap3A_368, %swap3A_369], %swap3A_372 {strides = array<i32>} : memref<640x64xf32, #tpu.memory_space<vmem>>, vector<1x16xf32>,
        %add3A_373 = arith.constant 3 : i32
        %add3A_374 = arith.addi %mul3A_166, %add3A_373 : i32
        %get3A_375 = arith.index_cast %add3A_374 : i32 to index
        %get3A_376 = arith.constant 16 : index
        %get3A_377 = tpu.vector_load %arg6[%get3A_375, %get3A_376] {strides = array<i32>} : memref<640x64xf32, #tpu.memory_space<vmem>>, vector<1x16xf32>,
        %get3A_378 = vector.shape_cast %get3A_377 : vector<1x16xf32> to vector<16xf32>
        %mul3A_379 = arith.constant 8.000000e+00 : f32
        %mul3A_380 = vector.broadcast %mul3A_379 : f32 to vector<16xf32>
        %mul3A_381 = arith.mulf %get3A_378, %mul3A_380 : vector<16xf32>
        %add3A_382 = arith.constant 3 : i32
        %add3A_383 = arith.addi %mul3A_166, %add3A_382 : i32
        %swap3A_384 = arith.index_cast %add3A_383 : i32 to index
        %swap3A_385 = arith.constant 16 : index
        %swap3A_386 = tpu.vector_load %arg6[%swap3A_384, %swap3A_385] {strides = array<i32>} : memref<640x64xf32, #tpu.memory_space<vmem>>, vector<1x16xf32>,
        %swap3A_387 = vector.shape_cast %swap3A_386 : vector<1x16xf32> to vector<16xf32>
        %swap3A_388 = vector.shape_cast %mul3A_381 : vector<16xf32> to vector<1x16xf32>
        tpu.vector_store %arg6[%swap3A_384, %swap3A_385], %swap3A_388 {strides = array<i32>} : memref<640x64xf32, #tpu.memory_space<vmem>>, vector<1x16xf32>,
        %add3A_389 = arith.constant 3 : i32
        %add3A_390 = arith.addi %mul3A_166, %add3A_389 : i32
        %get3A_391 = arith.index_cast %add3A_390 : i32 to index
        %get3A_392 = arith.constant 32 : index
        %get3A_393 = tpu.vector_load %arg6[%get3A_391, %get3A_392] {strides = array<i32>} : memref<640x64xf32, #tpu.memory_space<vmem>>, vector<1x16xf32>,
        %get3A_394 = vector.shape_cast %get3A_393 : vector<1x16xf32> to vector<16xf32>
        %mul3A_395 = arith.constant 8.000000e+00 : f32
        %mul3A_396 = vector.broadcast %mul3A_395 : f32 to vector<16xf32>
        %mul3A_397 = arith.mulf %get3A_394, %mul3A_396 : vector<16xf32>
        %add3A_398 = arith.constant 3 : i32
        %add3A_399 = arith.addi %mul3A_166, %add3A_398 : i32
        %swap3A_400 = arith.index_cast %add3A_399 : i32 to index
        %swap3A_401 = arith.constant 32 : index
        %swap3A_402 = tpu.vector_load %arg6[%swap3A_400, %swap3A_401] {strides = array<i32>} : memref<640x64xf32, #tpu.memory_space<vmem>>, vector<1x16xf32>,
        %swap3A_403 = vector.shape_cast %swap3A_402 : vector<1x16xf32> to vector<16xf32>
        %swap3A_404 = vector.shape_cast %mul3A_397 : vector<16xf32> to vector<1x16xf32>
        tpu.vector_store %arg6[%swap3A_400, %swap3A_401], %swap3A_404 {strides = array<i32>} : memref<640x64xf32, #tpu.memory_space<vmem>>, vector<1x16xf32>,
        %add3A_405 = arith.constant 3 : i32
        %add3A_406 = arith.addi %mul3A_166, %add3A_405 : i32
        %get3A_407 = arith.index_cast %add3A_406 : i32 to index
        %get3A_408 = arith.constant 48 : index
        %get3A_409 = tpu.vector_load %arg6[%get3A_407, %get3A_408] {strides = array<i32>} : memref<640x64xf32, #tpu.memory_space<vmem>>, vector<1x16xf32>,
        %get3A_410 = vector.shape_cast %get3A_409 : vector<1x16xf32> to vector<16xf32>
        %mul3A_411 = arith.constant 8.000000e+00 : f32
        %mul3A_412 = vector.broadcast %mul3A_411 : f32 to vector<16xf32>
        %mul3A_413 = arith.mulf %get3A_410, %mul3A_412 : vector<16xf32>
        %add3A_414 = arith.constant 3 : i32
        %add3A_415 = arith.addi %mul3A_166, %add3A_414 : i32
        %swap3A_416 = arith.index_cast %add3A_415 : i32 to index
        %swap3A_417 = arith.constant 48 : index
        %swap3A_418 = tpu.vector_load %arg6[%swap3A_416, %swap3A_417] {strides = array<i32>} : memref<640x64xf32, #tpu.memory_space<vmem>>, vector<1x16xf32>,
        %swap3A_419 = vector.shape_cast %swap3A_418 : vector<1x16xf32> to vector<16xf32>
        %swap3A_420 = vector.shape_cast %mul3A_413 : vector<16xf32> to vector<1x16xf32>
        tpu.vector_store %arg6[%swap3A_416, %swap3A_417], %swap3A_420 {strides = array<i32>} : memref<640x64xf32, #tpu.memory_space<vmem>>, vector<1x16xf32>,
      }
      %scan3A_131 = arith.constant 160 : i32
      %mul3A_132 = arith.constant 640 : i32
      %mul3A_133 = arith.muli %mul3A_60, %mul3A_132 : i32
      %add3A_134 = arith.addi %mul3A_2, %mul3A_133 : i32
      %dma_start3A_135 = arith.constant 0 : i32
      %dma_start3A_136 = tpu.memref_slice %arg4[%add3A_134, %dma_start3A_135] : memref<819200x64xf32, #tpu.memory_space<hbm>> -> memref<640x64xf32, #tpu.memory_space<hbm>>
      %dma_start3A_137 = arith.constant 0 : i32
      %dma_start3A_138 = tpu.memref_slice %arg4[%add3A_134, %dma_start3A_137] : memref<819200x64xf32, #tpu.memory_space<hbm>> -> memref<640x64xf32, #tpu.memory_space<hbm>>
      tpu.enqueue_dma source(%arg6 : memref<640x64xf32, #tpu.memory_space<vmem>>) target(%dma_start3A_138 : memref<640x64xf32, #tpu.memory_space<hbm>>) target_semaphore(%arg10 : memref<!tpu.dma_semaphore, #tpu.memory_space<semaphore_mem>>)
      %lt3A = arith.constant 19 : i32
      %lt3A_139 = arith.cmpi slt, %scan3A_58, %lt3A : i32
      %convert_element_type3A_140 = arith.extui %lt3A_139 : i1 to i32
      %cond3A_141 = arith.constant 0 : i32
      %cond3A_142 = arith.cmpi ne, %convert_element_type3A_140, %cond3A_141 : i32
      scf.if %cond3A_142 {
        %dma_wait3A_164 = arith.constant 0 : i32
        %dma_wait3A_165 = arith.constant 0 : i32
        %dma_wait3A_166 = tpu.memref_slice %arg4[%dma_wait3A_164, %dma_wait3A_165] : memref<819200x64xf32, #tpu.memory_space<hbm>> -> memref<640x64xf32, #tpu.memory_space<hbm>>
        %dma_wait3A_167 = arith.constant 0 : i32
        %dma_wait3A_168 = arith.constant 0 : i32
        %dma_wait3A_169 = tpu.memref_slice %arg4[%dma_wait3A_167, %dma_wait3A_168] : memref<819200x64xf32, #tpu.memory_space<hbm>> -> memref<640x64xf32, #tpu.memory_space<hbm>>
        tpu.wait_dma2 semaphore(%arg10 : memref<!tpu.dma_semaphore, #tpu.memory_space<semaphore_mem>>) src(%arg6 : memref<640x64xf32, #tpu.memory_space<vmem>>) dst(%dma_wait3A_169 : memref<640x64xf32, #tpu.memory_space<hbm>>)
        %add3A_170 = arith.constant 2 : i32
        %add3A_171 = arith.addi %mul3A_60, %add3A_170 : i32
        %mul3A_172 = arith.constant 640 : i32
        %mul3A_173 = arith.muli %add3A_171, %mul3A_172 : i32
        %add3A_174 = arith.constant 0 : i32
        %add3A_175 = arith.addi %mul3A_173, %add3A_174 : i32
        %dma_start3A_176 = arith.constant 0 : i32
        %dma_start3A_177 = arith.constant 0 : i32
        %dma_start3A_178 = tpu.memref_slice %arg6[%dma_start3A_176, %dma_start3A_177] : memref<640x64xf32, #tpu.memory_space<vmem>> -> memref<128x64xf32, #tpu.memory_space<vmem>>
        %dma_start3A_179 = tpu.memref_slice %arg5[%add3A_175] : memref<25600xi32, #tpu.memory_space<vmem>> -> memref<128xi32, #tpu.memory_space<vmem>>
        %dma_start3A_180 = arith.constant 0 : i32
        %dma_start3A_181 = arith.constant 0 : i32
        %dma_start3A_182 = tpu.memref_slice %arg3[%dma_start3A_180, %dma_start3A_181] : memref<1000000x64xf32, #tpu.memory_space<hbm>> -> memref<1000000x64xf32, #tpu.memory_space<hbm>>
        tpu.enqueue_indirect_dma source(%dma_start3A_182 : memref<1000000x64xf32, #tpu.memory_space<hbm>>) target(%dma_start3A_178 : memref<128x64xf32, #tpu.memory_space<vmem>>) offsets(%dma_start3A_179 : memref<128xi32, #tpu.memory_space<vmem>>) semaphore(%arg8 : memref<!tpu.dma_semaphore, #tpu.memory_space<semaphore_mem>>)
        %mul3A_183 = arith.constant 640 : i32
        %mul3A_184 = arith.muli %add3A_171, %mul3A_183 : i32
        %add3A_185 = arith.constant 128 : i32
        %add3A_186 = arith.addi %mul3A_184, %add3A_185 : i32
        %dma_start3A_187 = arith.constant 128 : i32
        %dma_start3A_188 = arith.constant 0 : i32
        %dma_start3A_189 = tpu.memref_slice %arg6[%dma_start3A_187, %dma_start3A_188] : memref<640x64xf32, #tpu.memory_space<vmem>> -> memref<128x64xf32, #tpu.memory_space<vmem>>
        %dma_start3A_190 = tpu.memref_slice %arg5[%add3A_186] : memref<25600xi32, #tpu.memory_space<vmem>> -> memref<128xi32, #tpu.memory_space<vmem>>
        %dma_start3A_191 = arith.constant 0 : i32
        %dma_start3A_192 = arith.constant 0 : i32
        %dma_start3A_193 = tpu.memref_slice %arg3[%dma_start3A_191, %dma_start3A_192] : memref<1000000x64xf32, #tpu.memory_space<hbm>> -> memref<1000000x64xf32, #tpu.memory_space<hbm>>
        tpu.enqueue_indirect_dma source(%dma_start3A_193 : memref<1000000x64xf32, #tpu.memory_space<hbm>>) target(%dma_start3A_189 : memref<128x64xf32, #tpu.memory_space<vmem>>) offsets(%dma_start3A_190 : memref<128xi32, #tpu.memory_space<vmem>>) semaphore(%arg8 : memref<!tpu.dma_semaphore, #tpu.memory_space<semaphore_mem>>)
        %mul3A_194 = arith.constant 640 : i32
        %mul3A_195 = arith.muli %add3A_171, %mul3A_194 : i32
        %add3A_196 = arith.constant 256 : i32
        %add3A_197 = arith.addi %mul3A_195, %add3A_196 : i32
        %dma_start3A_198 = arith.constant 256 : i32
        %dma_start3A_199 = arith.constant 0 : i32
        %dma_start3A_200 = tpu.memref_slice %arg6[%dma_start3A_198, %dma_start3A_199] : memref<640x64xf32, #tpu.memory_space<vmem>> -> memref<128x64xf32, #tpu.memory_space<vmem>>
        %dma_start3A_201 = tpu.memref_slice %arg5[%add3A_197] : memref<25600xi32, #tpu.memory_space<vmem>> -> memref<128xi32, #tpu.memory_space<vmem>>
        %dma_start3A_202 = arith.constant 0 : i32
        %dma_start3A_203 = arith.constant 0 : i32
        %dma_start3A_204 = tpu.memref_slice %arg3[%dma_start3A_202, %dma_start3A_203] : memref<1000000x64xf32, #tpu.memory_space<hbm>> -> memref<1000000x64xf32, #tpu.memory_space<hbm>>
        tpu.enqueue_indirect_dma source(%dma_start3A_204 : memref<1000000x64xf32, #tpu.memory_space<hbm>>) target(%dma_start3A_200 : memref<128x64xf32, #tpu.memory_space<vmem>>) offsets(%dma_start3A_201 : memref<128xi32, #tpu.memory_space<vmem>>) semaphore(%arg8 : memref<!tpu.dma_semaphore, #tpu.memory_space<semaphore_mem>>)
        %mul3A_205 = arith.constant 640 : i32
        %mul3A_206 = arith.muli %add3A_171, %mul3A_205 : i32
        %add3A_207 = arith.constant 384 : i32
        %add3A_208 = arith.addi %mul3A_206, %add3A_207 : i32
        %dma_start3A_209 = arith.constant 384 : i32
        %dma_start3A_210 = arith.constant 0 : i32
        %dma_start3A_211 = tpu.memref_slice %arg6[%dma_start3A_209, %dma_start3A_210] : memref<640x64xf32, #tpu.memory_space<vmem>> -> memref<128x64xf32, #tpu.memory_space<vmem>>
        %dma_start3A_212 = tpu.memref_slice %arg5[%add3A_208] : memref<25600xi32, #tpu.memory_space<vmem>> -> memref<128xi32, #tpu.memory_space<vmem>>
        %dma_start3A_213 = arith.constant 0 : i32
        %dma_start3A_214 = arith.constant 0 : i32
        %dma_start3A_215 = tpu.memref_slice %arg3[%dma_start3A_213, %dma_start3A_214] : memref<1000000x64xf32, #tpu.memory_space<hbm>> -> memref<1000000x64xf32, #tpu.memory_space<hbm>>
        tpu.enqueue_indirect_dma source(%dma_start3A_215 : memref<1000000x64xf32, #tpu.memory_space<hbm>>) target(%dma_start3A_211 : memref<128x64xf32, #tpu.memory_space<vmem>>) offsets(%dma_start3A_212 : memref<128xi32, #tpu.memory_space<vmem>>) semaphore(%arg8 : memref<!tpu.dma_semaphore, #tpu.memory_space<semaphore_mem>>)
        %mul3A_216 = arith.constant 640 : i32
        %mul3A_217 = arith.muli %add3A_171, %mul3A_216 : i32
        %add3A_218 = arith.constant 512 : i32
        %add3A_219 = arith.addi %mul3A_217, %add3A_218 : i32
        %dma_start3A_220 = arith.constant 512 : i32
        %dma_start3A_221 = arith.constant 0 : i32
        %dma_start3A_222 = tpu.memref_slice %arg6[%dma_start3A_220, %dma_start3A_221] : memref<640x64xf32, #tpu.memory_space<vmem>> -> memref<128x64xf32, #tpu.memory_space<vmem>>
        %dma_start3A_223 = tpu.memref_slice %arg5[%add3A_219] : memref<25600xi32, #tpu.memory_space<vmem>> -> memref<128xi32, #tpu.memory_space<vmem>>
        %dma_start3A_224 = arith.constant 0 : i32
        %dma_start3A_225 = arith.constant 0 : i32
        %dma_start3A_226 = tpu.memref_slice %arg3[%dma_start3A_224, %dma_start3A_225] : memref<1000000x64xf32, #tpu.memory_space<hbm>> -> memref<1000000x64xf32, #tpu.memory_space<hbm>>
        tpu.enqueue_indirect_dma source(%dma_start3A_226 : memref<1000000x64xf32, #tpu.memory_space<hbm>>) target(%dma_start3A_222 : memref<128x64xf32, #tpu.memory_space<vmem>>) offsets(%dma_start3A_223 : memref<128xi32, #tpu.memory_space<vmem>>) semaphore(%arg8 : memref<!tpu.dma_semaphore, #tpu.memory_space<semaphore_mem>>)
      } else {
      }
      %dma_wait3A_143 = arith.constant 0 : i32
      %dma_wait3A_144 = arith.constant 0 : i32
      %dma_wait3A_145 = tpu.memref_slice %arg3[%dma_wait3A_143, %dma_wait3A_144] : memref<1000000x64xf32, #tpu.memory_space<hbm>> -> memref<640x64xf32, #tpu.memory_space<hbm>>
      %dma_wait3A_146 = arith.constant 0 : i32
      %dma_wait3A_147 = arith.constant 0 : i32
      %dma_wait3A_148 = tpu.memref_slice %arg3[%dma_wait3A_146, %dma_wait3A_147] : memref<1000000x64xf32, #tpu.memory_space<hbm>> -> memref<640x64xf32, #tpu.memory_space<hbm>>
      tpu.wait_dma2 semaphore(%arg9 : memref<!tpu.dma_semaphore, #tpu.memory_space<semaphore_mem>>) src(%dma_wait3A_148 : memref<640x64xf32, #tpu.memory_space<hbm>>) dst(%arg7 : memref<640x64xf32, #tpu.memory_space<vmem>>)
      %scan3A_149 = arith.constant 0 : i32
      %scan3A_150 = arith.constant 0 : i32
      %scan3A_151 = arith.constant 160 : i32
      %scan3A_152 = arith.addi %scan3A_150, %scan3A_151 : i32
      %scan3A_153 = arith.constant 1 : i32
      scf.for %scan3A_164 = %scan3A_150 to %scan3A_152 step %scan3A_153  : i32 {
        %mul3A_165 = arith.constant 4 : i32
        %mul3A_166 = arith.muli %scan3A_164, %mul3A_165 : i32
        %add3A_167 = arith.constant 0 : i32
        %add3A_168 = arith.addi %mul3A_166, %add3A_167 : i32
        %get3A = arith.index_cast %add3A_168 : i32 to index
        %get3A_169 = arith.constant 0 : index
        %get3A_170 = tpu.vector_load %arg7[%get3A, %get3A_169] {strides = array<i32>} : memref<640x64xf32, #tpu.memory_space<vmem>>, vector<1x16xf32>,
        %get3A_171 = vector.shape_cast %get3A_170 : vector<1x16xf32> to vector<16xf32>
        %mul3A_172 = arith.constant 8.000000e+00 : f32
        %mul3A_173 = vector.broadcast %mul3A_172 : f32 to vector<16xf32>
        %mul3A_174 = arith.mulf %get3A_171, %mul3A_173 : vector<16xf32>
        %add3A_175 = arith.constant 0 : i32
        %add3A_176 = arith.addi %mul3A_166, %add3A_175 : i32
        %swap3A = arith.index_cast %add3A_176 : i32 to index
        %swap3A_177 = arith.constant 0 : index
        %swap3A_178 = tpu.vector_load %arg7[%swap3A, %swap3A_177] {strides = array<i32>} : memref<640x64xf32, #tpu.memory_space<vmem>>, vector<1x16xf32>,
        %swap3A_179 = vector.shape_cast %swap3A_178 : vector<1x16xf32> to vector<16xf32>
        %swap3A_180 = vector.shape_cast %mul3A_174 : vector<16xf32> to vector<1x16xf32>
        tpu.vector_store %arg7[%swap3A, %swap3A_177], %swap3A_180 {strides = array<i32>} : memref<640x64xf32, #tpu.memory_space<vmem>>, vector<1x16xf32>,
        %add3A_181 = arith.constant 0 : i32
        %add3A_182 = arith.addi %mul3A_166, %add3A_181 : i32
        %get3A_183 = arith.index_cast %add3A_182 : i32 to index
        %get3A_184 = arith.constant 16 : index
        %get3A_185 = tpu.vector_load %arg7[%get3A_183, %get3A_184] {strides = array<i32>} : memref<640x64xf32, #tpu.memory_space<vmem>>, vector<1x16xf32>,
        %get3A_186 = vector.shape_cast %get3A_185 : vector<1x16xf32> to vector<16xf32>
        %mul3A_187 = arith.constant 8.000000e+00 : f32
        %mul3A_188 = vector.broadcast %mul3A_187 : f32 to vector<16xf32>
        %mul3A_189 = arith.mulf %get3A_186, %mul3A_188 : vector<16xf32>
        %add3A_190 = arith.constant 0 : i32
        %add3A_191 = arith.addi %mul3A_166, %add3A_190 : i32
        %swap3A_192 = arith.index_cast %add3A_191 : i32 to index
        %swap3A_193 = arith.constant 16 : index
        %swap3A_194 = tpu.vector_load %arg7[%swap3A_192, %swap3A_193] {strides = array<i32>} : memref<640x64xf32, #tpu.memory_space<vmem>>, vector<1x16xf32>,
        %swap3A_195 = vector.shape_cast %swap3A_194 : vector<1x16xf32> to vector<16xf32>
        %swap3A_196 = vector.shape_cast %mul3A_189 : vector<16xf32> to vector<1x16xf32>
        tpu.vector_store %arg7[%swap3A_192, %swap3A_193], %swap3A_196 {strides = array<i32>} : memref<640x64xf32, #tpu.memory_space<vmem>>, vector<1x16xf32>,
        %add3A_197 = arith.constant 0 : i32
        %add3A_198 = arith.addi %mul3A_166, %add3A_197 : i32
        %get3A_199 = arith.index_cast %add3A_198 : i32 to index
        %get3A_200 = arith.constant 32 : index
        %get3A_201 = tpu.vector_load %arg7[%get3A_199, %get3A_200] {strides = array<i32>} : memref<640x64xf32, #tpu.memory_space<vmem>>, vector<1x16xf32>,
        %get3A_202 = vector.shape_cast %get3A_201 : vector<1x16xf32> to vector<16xf32>
        %mul3A_203 = arith.constant 8.000000e+00 : f32
        %mul3A_204 = vector.broadcast %mul3A_203 : f32 to vector<16xf32>
        %mul3A_205 = arith.mulf %get3A_202, %mul3A_204 : vector<16xf32>
        %add3A_206 = arith.constant 0 : i32
        %add3A_207 = arith.addi %mul3A_166, %add3A_206 : i32
        %swap3A_208 = arith.index_cast %add3A_207 : i32 to index
        %swap3A_209 = arith.constant 32 : index
        %swap3A_210 = tpu.vector_load %arg7[%swap3A_208, %swap3A_209] {strides = array<i32>} : memref<640x64xf32, #tpu.memory_space<vmem>>, vector<1x16xf32>,
        %swap3A_211 = vector.shape_cast %swap3A_210 : vector<1x16xf32> to vector<16xf32>
        %swap3A_212 = vector.shape_cast %mul3A_205 : vector<16xf32> to vector<1x16xf32>
        tpu.vector_store %arg7[%swap3A_208, %swap3A_209], %swap3A_212 {strides = array<i32>} : memref<640x64xf32, #tpu.memory_space<vmem>>, vector<1x16xf32>,
        %add3A_213 = arith.constant 0 : i32
        %add3A_214 = arith.addi %mul3A_166, %add3A_213 : i32
        %get3A_215 = arith.index_cast %add3A_214 : i32 to index
        %get3A_216 = arith.constant 48 : index
        %get3A_217 = tpu.vector_load %arg7[%get3A_215, %get3A_216] {strides = array<i32>} : memref<640x64xf32, #tpu.memory_space<vmem>>, vector<1x16xf32>,
        %get3A_218 = vector.shape_cast %get3A_217 : vector<1x16xf32> to vector<16xf32>
        %mul3A_219 = arith.constant 8.000000e+00 : f32
        %mul3A_220 = vector.broadcast %mul3A_219 : f32 to vector<16xf32>
        %mul3A_221 = arith.mulf %get3A_218, %mul3A_220 : vector<16xf32>
        %add3A_222 = arith.constant 0 : i32
        %add3A_223 = arith.addi %mul3A_166, %add3A_222 : i32
        %swap3A_224 = arith.index_cast %add3A_223 : i32 to index
        %swap3A_225 = arith.constant 48 : index
        %swap3A_226 = tpu.vector_load %arg7[%swap3A_224, %swap3A_225] {strides = array<i32>} : memref<640x64xf32, #tpu.memory_space<vmem>>, vector<1x16xf32>,
        %swap3A_227 = vector.shape_cast %swap3A_226 : vector<1x16xf32> to vector<16xf32>
        %swap3A_228 = vector.shape_cast %mul3A_221 : vector<16xf32> to vector<1x16xf32>
        tpu.vector_store %arg7[%swap3A_224, %swap3A_225], %swap3A_228 {strides = array<i32>} : memref<640x64xf32, #tpu.memory_space<vmem>>, vector<1x16xf32>,
        %add3A_229 = arith.constant 1 : i32
        %add3A_230 = arith.addi %mul3A_166, %add3A_229 : i32
        %get3A_231 = arith.index_cast %add3A_230 : i32 to index
        %get3A_232 = arith.constant 0 : index
        %get3A_233 = tpu.vector_load %arg7[%get3A_231, %get3A_232] {strides = array<i32>} : memref<640x64xf32, #tpu.memory_space<vmem>>, vector<1x16xf32>,
        %get3A_234 = vector.shape_cast %get3A_233 : vector<1x16xf32> to vector<16xf32>
        %mul3A_235 = arith.constant 8.000000e+00 : f32
        %mul3A_236 = vector.broadcast %mul3A_235 : f32 to vector<16xf32>
        %mul3A_237 = arith.mulf %get3A_234, %mul3A_236 : vector<16xf32>
        %add3A_238 = arith.constant 1 : i32
        %add3A_239 = arith.addi %mul3A_166, %add3A_238 : i32
        %swap3A_240 = arith.index_cast %add3A_239 : i32 to index
        %swap3A_241 = arith.constant 0 : index
        %swap3A_242 = tpu.vector_load %arg7[%swap3A_240, %swap3A_241] {strides = array<i32>} : memref<640x64xf32, #tpu.memory_space<vmem>>, vector<1x16xf32>,
        %swap3A_243 = vector.shape_cast %swap3A_242 : vector<1x16xf32> to vector<16xf32>
        %swap3A_244 = vector.shape_cast %mul3A_237 : vector<16xf32> to vector<1x16xf32>
        tpu.vector_store %arg7[%swap3A_240, %swap3A_241], %swap3A_244 {strides = array<i32>} : memref<640x64xf32, #tpu.memory_space<vmem>>, vector<1x16xf32>,
        %add3A_245 = arith.constant 1 : i32
        %add3A_246 = arith.addi %mul3A_166, %add3A_245 : i32
        %get3A_247 = arith.index_cast %add3A_246 : i32 to index
        %get3A_248 = arith.constant 16 : index
        %get3A_249 = tpu.vector_load %arg7[%get3A_247, %get3A_248] {strides = array<i32>} : memref<640x64xf32, #tpu.memory_space<vmem>>, vector<1x16xf32>,
        %get3A_250 = vector.shape_cast %get3A_249 : vector<1x16xf32> to vector<16xf32>
        %mul3A_251 = arith.constant 8.000000e+00 : f32
        %mul3A_252 = vector.broadcast %mul3A_251 : f32 to vector<16xf32>
        %mul3A_253 = arith.mulf %get3A_250, %mul3A_252 : vector<16xf32>
        %add3A_254 = arith.constant 1 : i32
        %add3A_255 = arith.addi %mul3A_166, %add3A_254 : i32
        %swap3A_256 = arith.index_cast %add3A_255 : i32 to index
        %swap3A_257 = arith.constant 16 : index
        %swap3A_258 = tpu.vector_load %arg7[%swap3A_256, %swap3A_257] {strides = array<i32>} : memref<640x64xf32, #tpu.memory_space<vmem>>, vector<1x16xf32>,
        %swap3A_259 = vector.shape_cast %swap3A_258 : vector<1x16xf32> to vector<16xf32>
        %swap3A_260 = vector.shape_cast %mul3A_253 : vector<16xf32> to vector<1x16xf32>
        tpu.vector_store %arg7[%swap3A_256, %swap3A_257], %swap3A_260 {strides = array<i32>} : memref<640x64xf32, #tpu.memory_space<vmem>>, vector<1x16xf32>,
        %add3A_261 = arith.constant 1 : i32
        %add3A_262 = arith.addi %mul3A_166, %add3A_261 : i32
        %get3A_263 = arith.index_cast %add3A_262 : i32 to index
        %get3A_264 = arith.constant 32 : index
        %get3A_265 = tpu.vector_load %arg7[%get3A_263, %get3A_264] {strides = array<i32>} : memref<640x64xf32, #tpu.memory_space<vmem>>, vector<1x16xf32>,
        %get3A_266 = vector.shape_cast %get3A_265 : vector<1x16xf32> to vector<16xf32>
        %mul3A_267 = arith.constant 8.000000e+00 : f32
        %mul3A_268 = vector.broadcast %mul3A_267 : f32 to vector<16xf32>
        %mul3A_269 = arith.mulf %get3A_266, %mul3A_268 : vector<16xf32>
        %add3A_270 = arith.constant 1 : i32
        %add3A_271 = arith.addi %mul3A_166, %add3A_270 : i32
        %swap3A_272 = arith.index_cast %add3A_271 : i32 to index
        %swap3A_273 = arith.constant 32 : index
        %swap3A_274 = tpu.vector_load %arg7[%swap3A_272, %swap3A_273] {strides = array<i32>} : memref<640x64xf32, #tpu.memory_space<vmem>>, vector<1x16xf32>,
        %swap3A_275 = vector.shape_cast %swap3A_274 : vector<1x16xf32> to vector<16xf32>
        %swap3A_276 = vector.shape_cast %mul3A_269 : vector<16xf32> to vector<1x16xf32>
        tpu.vector_store %arg7[%swap3A_272, %swap3A_273], %swap3A_276 {strides = array<i32>} : memref<640x64xf32, #tpu.memory_space<vmem>>, vector<1x16xf32>,
        %add3A_277 = arith.constant 1 : i32
        %add3A_278 = arith.addi %mul3A_166, %add3A_277 : i32
        %get3A_279 = arith.index_cast %add3A_278 : i32 to index
        %get3A_280 = arith.constant 48 : index
        %get3A_281 = tpu.vector_load %arg7[%get3A_279, %get3A_280] {strides = array<i32>} : memref<640x64xf32, #tpu.memory_space<vmem>>, vector<1x16xf32>,
        %get3A_282 = vector.shape_cast %get3A_281 : vector<1x16xf32> to vector<16xf32>
        %mul3A_283 = arith.constant 8.000000e+00 : f32
        %mul3A_284 = vector.broadcast %mul3A_283 : f32 to vector<16xf32>
        %mul3A_285 = arith.mulf %get3A_282, %mul3A_284 : vector<16xf32>
        %add3A_286 = arith.constant 1 : i32
        %add3A_287 = arith.addi %mul3A_166, %add3A_286 : i32
        %swap3A_288 = arith.index_cast %add3A_287 : i32 to index
        %swap3A_289 = arith.constant 48 : index
        %swap3A_290 = tpu.vector_load %arg7[%swap3A_288, %swap3A_289] {strides = array<i32>} : memref<640x64xf32, #tpu.memory_space<vmem>>, vector<1x16xf32>,
        %swap3A_291 = vector.shape_cast %swap3A_290 : vector<1x16xf32> to vector<16xf32>
        %swap3A_292 = vector.shape_cast %mul3A_285 : vector<16xf32> to vector<1x16xf32>
        tpu.vector_store %arg7[%swap3A_288, %swap3A_289], %swap3A_292 {strides = array<i32>} : memref<640x64xf32, #tpu.memory_space<vmem>>, vector<1x16xf32>,
        %add3A_293 = arith.constant 2 : i32
        %add3A_294 = arith.addi %mul3A_166, %add3A_293 : i32
        %get3A_295 = arith.index_cast %add3A_294 : i32 to index
        %get3A_296 = arith.constant 0 : index
        %get3A_297 = tpu.vector_load %arg7[%get3A_295, %get3A_296] {strides = array<i32>} : memref<640x64xf32, #tpu.memory_space<vmem>>, vector<1x16xf32>,
        %get3A_298 = vector.shape_cast %get3A_297 : vector<1x16xf32> to vector<16xf32>
        %mul3A_299 = arith.constant 8.000000e+00 : f32
        %mul3A_300 = vector.broadcast %mul3A_299 : f32 to vector<16xf32>
        %mul3A_301 = arith.mulf %get3A_298, %mul3A_300 : vector<16xf32>
        %add3A_302 = arith.constant 2 : i32
        %add3A_303 = arith.addi %mul3A_166, %add3A_302 : i32
        %swap3A_304 = arith.index_cast %add3A_303 : i32 to index
        %swap3A_305 = arith.constant 0 : index
        %swap3A_306 = tpu.vector_load %arg7[%swap3A_304, %swap3A_305] {strides = array<i32>} : memref<640x64xf32, #tpu.memory_space<vmem>>, vector<1x16xf32>,
        %swap3A_307 = vector.shape_cast %swap3A_306 : vector<1x16xf32> to vector<16xf32>
        %swap3A_308 = vector.shape_cast %mul3A_301 : vector<16xf32> to vector<1x16xf32>
        tpu.vector_store %arg7[%swap3A_304, %swap3A_305], %swap3A_308 {strides = array<i32>} : memref<640x64xf32, #tpu.memory_space<vmem>>, vector<1x16xf32>,
        %add3A_309 = arith.constant 2 : i32
        %add3A_310 = arith.addi %mul3A_166, %add3A_309 : i32
        %get3A_311 = arith.index_cast %add3A_310 : i32 to index
        %get3A_312 = arith.constant 16 : index
        %get3A_313 = tpu.vector_load %arg7[%get3A_311, %get3A_312] {strides = array<i32>} : memref<640x64xf32, #tpu.memory_space<vmem>>, vector<1x16xf32>,
        %get3A_314 = vector.shape_cast %get3A_313 : vector<1x16xf32> to vector<16xf32>
        %mul3A_315 = arith.constant 8.000000e+00 : f32
        %mul3A_316 = vector.broadcast %mul3A_315 : f32 to vector<16xf32>
        %mul3A_317 = arith.mulf %get3A_314, %mul3A_316 : vector<16xf32>
        %add3A_318 = arith.constant 2 : i32
        %add3A_319 = arith.addi %mul3A_166, %add3A_318 : i32
        %swap3A_320 = arith.index_cast %add3A_319 : i32 to index
        %swap3A_321 = arith.constant 16 : index
        %swap3A_322 = tpu.vector_load %arg7[%swap3A_320, %swap3A_321] {strides = array<i32>} : memref<640x64xf32, #tpu.memory_space<vmem>>, vector<1x16xf32>,
        %swap3A_323 = vector.shape_cast %swap3A_322 : vector<1x16xf32> to vector<16xf32>
        %swap3A_324 = vector.shape_cast %mul3A_317 : vector<16xf32> to vector<1x16xf32>
        tpu.vector_store %arg7[%swap3A_320, %swap3A_321], %swap3A_324 {strides = array<i32>} : memref<640x64xf32, #tpu.memory_space<vmem>>, vector<1x16xf32>,
        %add3A_325 = arith.constant 2 : i32
        %add3A_326 = arith.addi %mul3A_166, %add3A_325 : i32
        %get3A_327 = arith.index_cast %add3A_326 : i32 to index
        %get3A_328 = arith.constant 32 : index
        %get3A_329 = tpu.vector_load %arg7[%get3A_327, %get3A_328] {strides = array<i32>} : memref<640x64xf32, #tpu.memory_space<vmem>>, vector<1x16xf32>,
        %get3A_330 = vector.shape_cast %get3A_329 : vector<1x16xf32> to vector<16xf32>
        %mul3A_331 = arith.constant 8.000000e+00 : f32
        %mul3A_332 = vector.broadcast %mul3A_331 : f32 to vector<16xf32>
        %mul3A_333 = arith.mulf %get3A_330, %mul3A_332 : vector<16xf32>
        %add3A_334 = arith.constant 2 : i32
        %add3A_335 = arith.addi %mul3A_166, %add3A_334 : i32
        %swap3A_336 = arith.index_cast %add3A_335 : i32 to index
        %swap3A_337 = arith.constant 32 : index
        %swap3A_338 = tpu.vector_load %arg7[%swap3A_336, %swap3A_337] {strides = array<i32>} : memref<640x64xf32, #tpu.memory_space<vmem>>, vector<1x16xf32>,
        %swap3A_339 = vector.shape_cast %swap3A_338 : vector<1x16xf32> to vector<16xf32>
        %swap3A_340 = vector.shape_cast %mul3A_333 : vector<16xf32> to vector<1x16xf32>
        tpu.vector_store %arg7[%swap3A_336, %swap3A_337], %swap3A_340 {strides = array<i32>} : memref<640x64xf32, #tpu.memory_space<vmem>>, vector<1x16xf32>,
        %add3A_341 = arith.constant 2 : i32
        %add3A_342 = arith.addi %mul3A_166, %add3A_341 : i32
        %get3A_343 = arith.index_cast %add3A_342 : i32 to index
        %get3A_344 = arith.constant 48 : index
        %get3A_345 = tpu.vector_load %arg7[%get3A_343, %get3A_344] {strides = array<i32>} : memref<640x64xf32, #tpu.memory_space<vmem>>, vector<1x16xf32>,
        %get3A_346 = vector.shape_cast %get3A_345 : vector<1x16xf32> to vector<16xf32>
        %mul3A_347 = arith.constant 8.000000e+00 : f32
        %mul3A_348 = vector.broadcast %mul3A_347 : f32 to vector<16xf32>
        %mul3A_349 = arith.mulf %get3A_346, %mul3A_348 : vector<16xf32>
        %add3A_350 = arith.constant 2 : i32
        %add3A_351 = arith.addi %mul3A_166, %add3A_350 : i32
        %swap3A_352 = arith.index_cast %add3A_351 : i32 to index
        %swap3A_353 = arith.constant 48 : index
        %swap3A_354 = tpu.vector_load %arg7[%swap3A_352, %swap3A_353] {strides = array<i32>} : memref<640x64xf32, #tpu.memory_space<vmem>>, vector<1x16xf32>,
        %swap3A_355 = vector.shape_cast %swap3A_354 : vector<1x16xf32> to vector<16xf32>
        %swap3A_356 = vector.shape_cast %mul3A_349 : vector<16xf32> to vector<1x16xf32>
        tpu.vector_store %arg7[%swap3A_352, %swap3A_353], %swap3A_356 {strides = array<i32>} : memref<640x64xf32, #tpu.memory_space<vmem>>, vector<1x16xf32>,
        %add3A_357 = arith.constant 3 : i32
        %add3A_358 = arith.addi %mul3A_166, %add3A_357 : i32
        %get3A_359 = arith.index_cast %add3A_358 : i32 to index
        %get3A_360 = arith.constant 0 : index
        %get3A_361 = tpu.vector_load %arg7[%get3A_359, %get3A_360] {strides = array<i32>} : memref<640x64xf32, #tpu.memory_space<vmem>>, vector<1x16xf32>,
        %get3A_362 = vector.shape_cast %get3A_361 : vector<1x16xf32> to vector<16xf32>
        %mul3A_363 = arith.constant 8.000000e+00 : f32
        %mul3A_364 = vector.broadcast %mul3A_363 : f32 to vector<16xf32>
        %mul3A_365 = arith.mulf %get3A_362, %mul3A_364 : vector<16xf32>
        %add3A_366 = arith.constant 3 : i32
        %add3A_367 = arith.addi %mul3A_166, %add3A_366 : i32
        %swap3A_368 = arith.index_cast %add3A_367 : i32 to index
        %swap3A_369 = arith.constant 0 : index
        %swap3A_370 = tpu.vector_load %arg7[%swap3A_368, %swap3A_369] {strides = array<i32>} : memref<640x64xf32, #tpu.memory_space<vmem>>, vector<1x16xf32>,
        %swap3A_371 = vector.shape_cast %swap3A_370 : vector<1x16xf32> to vector<16xf32>
        %swap3A_372 = vector.shape_cast %mul3A_365 : vector<16xf32> to vector<1x16xf32>
        tpu.vector_store %arg7[%swap3A_368, %swap3A_369], %swap3A_372 {strides = array<i32>} : memref<640x64xf32, #tpu.memory_space<vmem>>, vector<1x16xf32>,
        %add3A_373 = arith.constant 3 : i32
        %add3A_374 = arith.addi %mul3A_166, %add3A_373 : i32
        %get3A_375 = arith.index_cast %add3A_374 : i32 to index
        %get3A_376 = arith.constant 16 : index
        %get3A_377 = tpu.vector_load %arg7[%get3A_375, %get3A_376] {strides = array<i32>} : memref<640x64xf32, #tpu.memory_space<vmem>>, vector<1x16xf32>,
        %get3A_378 = vector.shape_cast %get3A_377 : vector<1x16xf32> to vector<16xf32>
        %mul3A_379 = arith.constant 8.000000e+00 : f32
        %mul3A_380 = vector.broadcast %mul3A_379 : f32 to vector<16xf32>
        %mul3A_381 = arith.mulf %get3A_378, %mul3A_380 : vector<16xf32>
        %add3A_382 = arith.constant 3 : i32
        %add3A_383 = arith.addi %mul3A_166, %add3A_382 : i32
        %swap3A_384 = arith.index_cast %add3A_383 : i32 to index
        %swap3A_385 = arith.constant 16 : index
        %swap3A_386 = tpu.vector_load %arg7[%swap3A_384, %swap3A_385] {strides = array<i32>} : memref<640x64xf32, #tpu.memory_space<vmem>>, vector<1x16xf32>,
        %swap3A_387 = vector.shape_cast %swap3A_386 : vector<1x16xf32> to vector<16xf32>
        %swap3A_388 = vector.shape_cast %mul3A_381 : vector<16xf32> to vector<1x16xf32>
        tpu.vector_store %arg7[%swap3A_384, %swap3A_385], %swap3A_388 {strides = array<i32>} : memref<640x64xf32, #tpu.memory_space<vmem>>, vector<1x16xf32>,
        %add3A_389 = arith.constant 3 : i32
        %add3A_390 = arith.addi %mul3A_166, %add3A_389 : i32
        %get3A_391 = arith.index_cast %add3A_390 : i32 to index
        %get3A_392 = arith.constant 32 : index
        %get3A_393 = tpu.vector_load %arg7[%get3A_391, %get3A_392] {strides = array<i32>} : memref<640x64xf32, #tpu.memory_space<vmem>>, vector<1x16xf32>,
        %get3A_394 = vector.shape_cast %get3A_393 : vector<1x16xf32> to vector<16xf32>
        %mul3A_395 = arith.constant 8.000000e+00 : f32
        %mul3A_396 = vector.broadcast %mul3A_395 : f32 to vector<16xf32>
        %mul3A_397 = arith.mulf %get3A_394, %mul3A_396 : vector<16xf32>
        %add3A_398 = arith.constant 3 : i32
        %add3A_399 = arith.addi %mul3A_166, %add3A_398 : i32
        %swap3A_400 = arith.index_cast %add3A_399 : i32 to index
        %swap3A_401 = arith.constant 32 : index
        %swap3A_402 = tpu.vector_load %arg7[%swap3A_400, %swap3A_401] {strides = array<i32>} : memref<640x64xf32, #tpu.memory_space<vmem>>, vector<1x16xf32>,
        %swap3A_403 = vector.shape_cast %swap3A_402 : vector<1x16xf32> to vector<16xf32>
        %swap3A_404 = vector.shape_cast %mul3A_397 : vector<16xf32> to vector<1x16xf32>
        tpu.vector_store %arg7[%swap3A_400, %swap3A_401], %swap3A_404 {strides = array<i32>} : memref<640x64xf32, #tpu.memory_space<vmem>>, vector<1x16xf32>,
        %add3A_405 = arith.constant 3 : i32
        %add3A_406 = arith.addi %mul3A_166, %add3A_405 : i32
        %get3A_407 = arith.index_cast %add3A_406 : i32 to index
        %get3A_408 = arith.constant 48 : index
        %get3A_409 = tpu.vector_load %arg7[%get3A_407, %get3A_408] {strides = array<i32>} : memref<640x64xf32, #tpu.memory_space<vmem>>, vector<1x16xf32>,
        %get3A_410 = vector.shape_cast %get3A_409 : vector<1x16xf32> to vector<16xf32>
        %mul3A_411 = arith.constant 8.000000e+00 : f32
        %mul3A_412 = vector.broadcast %mul3A_411 : f32 to vector<16xf32>
        %mul3A_413 = arith.mulf %get3A_410, %mul3A_412 : vector<16xf32>
        %add3A_414 = arith.constant 3 : i32
        %add3A_415 = arith.addi %mul3A_166, %add3A_414 : i32
        %swap3A_416 = arith.index_cast %add3A_415 : i32 to index
        %swap3A_417 = arith.constant 48 : index
        %swap3A_418 = tpu.vector_load %arg7[%swap3A_416, %swap3A_417] {strides = array<i32>} : memref<640x64xf32, #tpu.memory_space<vmem>>, vector<1x16xf32>,
        %swap3A_419 = vector.shape_cast %swap3A_418 : vector<1x16xf32> to vector<16xf32>
        %swap3A_420 = vector.shape_cast %mul3A_413 : vector<16xf32> to vector<1x16xf32>
        tpu.vector_store %arg7[%swap3A_416, %swap3A_417], %swap3A_420 {strides = array<i32>} : memref<640x64xf32, #tpu.memory_space<vmem>>, vector<1x16xf32>,
      }
      %scan3A_154 = arith.constant 160 : i32
      %add3A_155 = arith.constant 1 : i32
      %add3A_156 = arith.addi %mul3A_60, %add3A_155 : i32
      %mul3A_157 = arith.constant 640 : i32
      %mul3A_158 = arith.muli %add3A_156, %mul3A_157 : i32
      %add3A_159 = arith.addi %mul3A_2, %mul3A_158 : i32
      %dma_start3A_160 = arith.constant 0 : i32
      %dma_start3A_161 = tpu.memref_slice %arg4[%add3A_159, %dma_start3A_160] : memref<819200x64xf32, #tpu.memory_space<hbm>> -> memref<640x64xf32, #tpu.memory_space<hbm>>
      %dma_start3A_162 = arith.constant 0 : i32
      %dma_start3A_163 = tpu.memref_slice %arg4[%add3A_159, %dma_start3A_162] : memref<819200x64xf32, #tpu.memory_space<hbm>> -> memref<640x64xf32, #tpu.memory_space<hbm>>
      tpu.enqueue_dma source(%arg7 : memref<640x64xf32, #tpu.memory_space<vmem>>) target(%dma_start3A_163 : memref<640x64xf32, #tpu.memory_space<hbm>>) target_semaphore(%arg11 : memref<!tpu.dma_semaphore, #tpu.memory_space<semaphore_mem>>)
    }
    %scan3A_46 = arith.constant 20 : i32
    %dma_wait3A = arith.constant 0 : i32
    %dma_wait3A_47 = arith.constant 0 : i32
    %dma_wait3A_48 = tpu.memref_slice %arg4[%dma_wait3A, %dma_wait3A_47] : memref<819200x64xf32, #tpu.memory_space<hbm>> -> memref<640x64xf32, #tpu.memory_space<hbm>>
    %dma_wait3A_49 = arith.constant 0 : i32
    %dma_wait3A_50 = arith.constant 0 : i32
    %dma_wait3A_51 = tpu.memref_slice %arg4[%dma_wait3A_49, %dma_wait3A_50] : memref<819200x64xf32, #tpu.memory_space<hbm>> -> memref<640x64xf32, #tpu.memory_space<hbm>>
    tpu.wait_dma2 semaphore(%arg10 : memref<!tpu.dma_semaphore, #tpu.memory_space<semaphore_mem>>) src(%arg6 : memref<640x64xf32, #tpu.memory_space<vmem>>) dst(%dma_wait3A_51 : memref<640x64xf32, #tpu.memory_space<hbm>>)
    %dma_wait3A_52 = arith.constant 0 : i32
    %dma_wait3A_53 = arith.constant 0 : i32
    %dma_wait3A_54 = tpu.memref_slice %arg4[%dma_wait3A_52, %dma_wait3A_53] : memref<819200x64xf32, #tpu.memory_space<hbm>> -> memref<640x64xf32, #tpu.memory_space<hbm>>
    %dma_wait3A_55 = arith.constant 0 : i32
    %dma_wait3A_56 = arith.constant 0 : i32
    %dma_wait3A_57 = tpu.memref_slice %arg4[%dma_wait3A_55, %dma_wait3A_56] : memref<819200x64xf32, #tpu.memory_space<hbm>> -> memref<640x64xf32, #tpu.memory_space<hbm>>
    tpu.wait_dma2 semaphore(%arg11 : memref<!tpu.dma_semaphore, #tpu.memory_space<semaphore_mem>>) src(%arg7 : memref<640x64xf32, #tpu.memory_space<vmem>>) dst(%dma_wait3A_57 : memref<640x64xf32, #tpu.memory_space<hbm>>)
    return
  }
}

</mosaic_0001>

<sc_bundles>
// kernel: kernel.3.cloned.1.call-start
scs
__scs_entry_jumppad:
0x0: {  	(pc) =	sbr.rel $0x88, $3  }
0x1: {  	(tag) =	ssettag $0x0;
	lr =	simm.s32 $0x1  }
0x2: {  	[smem:$0x3F9F] =	sst lr;
	_ =	strace $0xD0000000  }
0x3: {  	_ = 	snop  }
0x4: {  	_ = 	snop  }
0x5: {  	_ = 	snop  }
0x6: {  	_ = 	snop  }
0x7: {  	_ = 	snop  }
__scs_overlays_trampoline_lowered:
0x8: {  	[smem:$0x3FAE] =	sst s0  }
0x9: {  	[smem:$0x3FAF] =	sst s1  }
0xa: {  	[smem:$0x3FB0] =	sst s2  }
0xb: {  	[smem:$0x3FB1] =	sst s3  }
0xc: {  	[smem:$0x3FB2] =	sst s4  }
0xd: {  	[smem:$0x3FB3] =	sst s5  }
0xe: {  	[smem:$0x3FB4] =	sst s6  }
0xf: {  	[smem:$0x3FB5] =	sst s7  }
0x10: {  	[smem:$0x3FB6] =	sst s8  }
0x11: {  	[smem:$0x3FB7] =	sst s9;
	s0 =	simm.s32 @!p0 $0x0  }
0x12: {  	s1 =	sld [smem:$0x3F9D];
	s0 =	simm.s32 @p0 $0x1  }
0x13: {  	[smem:$0x3FB8] =	sst s0;
	s0 =	simm.s32 @!p1 $0x0  }
0x14: {  	s2 =	sld [smem:$0x3F9C];
	s0 =	simm.s32 @p1 $0x1  }
0x15: {  	[smem:$0x3FB9] =	sst s0;
	s0 =	simm.s32 @!p2 $0x0  }
0x16: {  	s3 =	sld [smem:$0x3FDB];
	s0 =	simm.s32 @p2 $0x1  }
0x17: {  	s4 =	simm.s32 $0x1BF5;
	[smem:$0x3FBB] =	sst s0  }
0x18: {  	s0 =	sld [smem:$0x3F9E];
	_ =	swait.ge [sflag:s4], $0x0  }
0x19: {  	s7 =	sld [smem:$0x3F9F]  }
0x1a: {  	s8 =	sadd.s32 $0xFFFFE003, lr  }
0x1b: {  	s9 =	sadd.s32 $0xFFFFFEF7, lr;
	s5 =	simm.s32 $0xFFFFFFFF;
	p2 =	slt.u32 s8, $0xFFFFF086  }
0x1c: {  	p1 =	slt.u32 s9, $0xF7A;
	s5 =	simm.s32 @!p2 $0x0  }
0x1d: {  	s5 =	simm.s32 @p1 $0x1;
	p0 =	seq.s32 s7, s2  }
0x1e: {  	s7 =	smul.u32 @!p0 $0xF7A, s2;
	p2 =	seq.s32 @!p0 s5, $0x0  }
0x1f: {  	s9 =	smul.u32 $0xF7A, s1;
	s8 =	simm.s32 @!p0 $0x1BF5;
	p2 =	por !p2, p0  }
0x20: {  	[sflag:s8] =	ssyncset.s32 @!p0 $0xFFFFF086;
	s6 =	sadd.s32 @!p0 s3, s7;
	s7 =	simm.s32 @!p0 $0x108  }
0x21: {  	s3 =	sadd.s32 s3, s9;
	s6 =	sadd.s32 @!p0 $0x88, s6;
	s7 =	simm.s32 @p2 $0x1082  }
0x22: {  	[simem:s7], [sflag:s8] =	dma.local @!p0 [hbm:s6], $0xF7A  }
0x23: {  	s9 =	sor.u32 $0xD0000000, s2;
	s6 =	simm.s32 $0x108;
	_ =	swait.ge @!p0 [sflag:s8], $0x0  }
0x24: {  	s3 =	sadd.s32 $0x88, s3;
	s6 =	simm.s32 @!p1 $0x1082;
	[sflag:s4] =	ssyncset.s32 $0xFFFFF086  }
0x25: {  	[simem:s6], [sflag:s4] =	dma.local [hbm:s3], $0xF7A  }
0x26: {  	[smem:$0x3F9F] =	sst s1;
	(tag) =	ssettag s2;
	_ =	strace s9  }
0x27: {  	s1 =	sld [smem:$0x3FAF]  }
0x28: {  	s2 =	sld [smem:$0x3FB0]  }
0x29: {  	s4 =	sld [smem:$0x3FB2]  }
0x2a: {  	p0 =	seq.s32 s5, $0x0;
	s5 =	sld [smem:$0x3FB3]  }
0x2b: {  	s6 =	sld [smem:$0x3FB4]  }
0x2c: {  	s7 =	sld [smem:$0x3FB5]  }
0x2d: {  	s3 =	simm.s32 $0x108;
	s8 =	sld [smem:$0x3FB6]  }
0x2e: {  	s3 =	simm.s32 @!p0 $0x1082;
	s9 =	sld [smem:$0x3FB7]  }
0x2f: {  	lr =	sadd.s32 s0, s3;
	s0 =	sld [smem:$0x3FAE]  }
0x30: {  	s3 =	sld [smem:$0x3FB1]  }
0x31: {  	[smem:$0x3FBA] =	sst s10  }
0x32: {  	s10 =	sld [smem:$0x3FB8];
	_ =	sdelay $0x3  }
0x33: {  	p0 =	seq.s32 s10, $0x1;
	s10 =	sld [smem:$0x3FBA];
	_ =	sdelay $0x3  }
0x34: {  	[smem:$0x3FBA] =	sst s10  }
0x35: {  	s10 =	sld [smem:$0x3FB9];
	_ =	sdelay $0x3  }
0x36: {  	p1 =	seq.s32 s10, $0x1;
	s10 =	sld [smem:$0x3FBA];
	_ =	sdelay $0x3  }
0x37: {  	[smem:$0x3FBA] =	sst s10  }
0x38: {  	s10 =	sld [smem:$0x3FBB]  }
0x39: {  	_ = 	snop;
	(pc) =	sbr.ind lr, $3  }
0x3a: {  	_ = 	snop  }
0x3b: {  	_ = 	snop  }
0x3c: {  	p2 =	seq.s32 s10, $0x1;
	s10 =	sld [smem:$0x3FBA]  }
0x3d: {  	_ =	shalt  }
0x3e: {  	_ =	shalt  }
0x3f: {  	_ =	shalt  }
0x40: {  	_ =	shalt  }
0x41: {  	_ =	shalt  }
0x42: {  	_ =	shalt  }
0x43: {  	_ =	shalt  }
0x44: {  	_ =	shalt  }
0x45: {  	_ =	shalt  }
0x46: {  	_ =	shalt  }
0x47: {  	_ =	shalt  }
0x48: {  	_ =	shalt  }
0x49: {  	_ =	shalt  }
0x4a: {  	_ =	shalt  }
0x4b: {  	_ =	shalt  }
0x4c: {  	_ =	shalt  }
0x4d: {  	_ =	shalt  }
0x4e: {  	_ =	shalt  }
0x4f: {  	_ =	shalt  }
0x50: {  	_ =	shalt  }
0x51: {  	_ =	shalt  }
0x52: {  	_ =	shalt  }
0x53: {  	_ =	shalt  }
0x54: {  	_ =	shalt  }
0x55: {  	_ =	shalt  }
0x56: {  	_ =	shalt  }
0x57: {  	_ =	shalt  }
0x58: {  	_ =	shalt  }
0x59: {  	_ =	shalt  }
0x5a: {  	_ =	shalt  }
0x5b: {  	_ =	shalt  }
0x5c: {  	_ =	shalt  }
0x5d: {  	_ =	shalt  }
0x5e: {  	_ =	shalt  }
0x5f: {  	_ =	shalt  }
0x60: {  	_ =	shalt  }
0x61: {  	_ =	shalt  }
0x62: {  	_ =	shalt  }
0x63: {  	_ =	shalt  }
0x64: {  	_ =	shalt  }
0x65: {  	_ =	shalt  }
0x66: {  	_ =	shalt  }
0x67: {  	_ =	shalt  }
0x68: {  	_ =	shalt  }
0x69: {  	_ =	shalt  }
0x6a: {  	_ =	shalt  }
0x6b: {  	_ =	shalt  }
0x6c: {  	_ =	shalt  }
0x6d: {  	_ =	shalt  }
0x6e: {  	_ =	shalt  }
0x6f: {  	_ =	shalt  }
0x70: {  	_ =	shalt  }
0x71: {  	_ =	shalt  }
0x72: {  	_ =	shalt  }
0x73: {  	_ =	shalt  }
0x74: {  	_ =	shalt  }
0x75: {  	_ =	shalt  }
0x76: {  	_ =	shalt  }
0x77: {  	_ =	shalt  }
0x78: {  	_ =	shalt  }
0x79: {  	_ =	shalt  }
0x7a: {  	_ =	shalt  }
0x7b: {  	_ =	shalt  }
0x7c: {  	_ =	shalt  }
0x7d: {  	_ =	shalt  }
0x7e: {  	_ =	shalt  }
0x7f: {  	_ =	shalt  }
0x80: {  	_ =	shalt  }
0x81: {  	_ =	shalt  }
0x82: {  	_ =	shalt  }
0x83: {  	_ =	shalt  }
0x84: {  	_ =	shalt  }
0x85: {  	_ =	shalt  }
0x86: {  	_ =	shalt  }
0x87: {  	_ =	shalt  }
.Lfunc_end0:
.L_simem_size_0:
called_computation.1_lowered:
.L_overlay_start_0:
0x88: {  	s2 =	sld [smem:$0x3FD9]  }
0x89: {  	s3 =	sld [smem:$0x3FFE];
	_ =	sdelay $0x1  }
0x8a: {  	s1 =	srdreg.scid  }
0x8b: {  	s0 =	sand.u32 $0x1, s1  }
0x8c: {  	s17 =	sshll.u32 s0, $0xA;
	s2 =	sadd.s32 s3, s2  }
0x8d: {  	s2 =	sadd.s32 s2, s17  }
0x8e: {  	[smem:$0x3FC6] =	sst s2  }
0x8f: {  	_ = 	snop  }
0x90: {  	s2 =	sld [smem:$0x3FD0];
	(tm) =	ssettm $0x1  }
0x91: {  	s18 =	sld [smem:$0x3FFB];
	_ =	sdelay $0x3  }
0x92: {  	_ =	strace s18  }
0x93: {  	s3 =	sld [smem:$0x3FFC];
	_ =	sdelay $0x3  }
0x94: {  	_ =	strace s3  }
0x95: {  	s3 =	sld [smem:$0x3FFD];
	_ =	sdelay $0x3  }
0x96: {  	_ =	strace s3  }
0x97: {  	_ =	strace $0x8FFFFFFF  }
0x98: {  	s19 =	sld [smem:$0x3FDB];
	_ =	sdelay $0x1  }
0x99: {  	s4 =	simm.s32 $_scs_section_size  }
0x9a: {  	s5 =	simm.s32 $_size__tile_overlayer_lowered;
	s6 =	simm.s32 $_tile_overlayer_lowered  }
0x9b: {  	s22 =	simm.s32 $0x1BFF;
	s21 =	sshll.u32 s6, $0x1;
	s3 =	sadd.s32 s4, s19  }
0x9c: {  	s7 =	simm.s32 $0x0;
	s20 =	sshll.u32 s5, $0x1;
	s5 =	sadd.s32 s21, s3  }
0x9d: {  	[timem:s7], [sflag:s22] =	dma.local [hbm:s5], s20  }
0x9e: {  	_ =	swait.ge [sflag:s22], s20  }
0x9f: {  	s4 =	ssub.s32 $0x0, s20;
	[sflag:s22] =	ssyncset.done $0x0  }
0xa0: {  	[sflag:s22] =	ssyncadd.s32 s4;
	_ =	sdelay $0x1  }
0xa1: {  	s23 =	simm.s32 $0x1B8B  }
0xa2: {  	_ =	swait.ge [sflag:s23], $0x1  }
0xa3: {  	[sflag:s23] =	ssyncset.done $0x0  }
0xa4: {  	s25 =	simm.s32 $0x1B8E;
	s24 =	sld [smem:$0x3FFE];
	[sflag:s23] =	ssyncadd.s32 $0xFFFFFFFF  }
0xa5: {  	s26 =	simm.s32 $execute0_lowered;
	[smem:$0x3FD2] =	sst s25  }
0xa6: {  	s5 =	sshll.u32 s26, $0x1;
	_ =	strace $0x80000046;
	[dreg:$0x1] =	wrdreg $0xFFFFFFFF  }
0xa7: {  	s28 =	simm.s32 $_size_execute0_lowered;
	s3 =	sadd.s32 s3, s5;
	[dreg:$0x0] =	wrdreg $0x0  }
0xa8: {  	s5 =	sshll.u32 s28, $0x1;
	[dreg:$0x2] =	wrdreg s3  }
0xa9: {  	[dreg:$0x3] =	wrdreg s5  }
0xaa: {  	[dreg:$0x4] =	wrdreg $0xC0  }
0xab: {  	_ =	task [dreg:s7], $0x5FFFF  }
0xac: {  	[dreg:$0x1] =	wrdreg $0xFFFFFFFF  }
0xad: {  	[dreg:$0x0] =	wrdreg $0x60  }
0xae: {  	[dreg:$0x2] =	wrdreg s24  }
0xaf: {  	[dreg:$0x3] =	wrdreg s2  }
0xb0: {  	[dreg:$0x4] =	wrdreg $0x9  }
0xb1: {  	_ =	task.clear_ibuf [dreg:s7], $0x5FFFF;
	_ =	strace $0x90000046  }
0xb2: {  	s29 =	simm.s32 $0x9;
	_ =	strace $0x80000048  }
0xb3: {  	_ =	swait.ge [sflag:s29], $0x1  }
0xb4: {  	[sflag:s29] =	ssyncadd.s32 $0xFFFFFFFF  }
0xb5: {  	_ =	strace $0x90000048  }
0xb6: {  	_ =	sfence  }
0xb7: {  	s30 =	sld [smem:$0x0];
	_ =	sdelay $0x2  }
0xb8: {  	s31 =	sshll.u32 s1, $0xD;
	s1 =	sshrl.u32 s1, $0x2  }
0xb9: {  	s3 =	sand.u32 $0x4000, s31;
	s1 =	sadd.s32 s1, s30  }
0xba: {  	s0 =	sor.u32 s3, s0;
	s1 =	sshll.u32 s1, $0x11  }
0xbb: {  	s0 =	sor.u32 s1, s0  }
0xbc: {  	s0 =	sadd.s32 $0x8F2B, s0  }
0xbd: {  	[sflag:s0] =	ssyncadd.remote.s32 $0x1  }
0xbe: {  	_ =	sfence.sel $0xFFFF  }
0xbf: {  	[dreg:$0x0] =	wrdreg $0xFFFFFFFF;
	(pc) =	sbr.abs _section_cstart, $3  }
0xc0: {  	[dreg:$0x1] =	wrdreg $0xFFFFFFFF  }
0xc1: {  	_ =	task.clear_ibuf [dreg:s7], $0x2FFFF;
	_ =	strace $0x9FFFFFFF  }
0xc2: {  	(tm) =	ssettm $0x7FFFFFFF  }
0xc3: {  	_ =	shalt  }
tec
execute0_lowered:
.L_overlay_start_1:
0x0: {  	(tag) =	ssettag $0x1  }
0x1: {  	s0 =	srdreg.scid;
	s5 =	rddreg [dreg:$0x0]  }
0x2: {  	s1 =	stileid.u32;
	s2 =	rddreg [dreg:$0x1];
	s4 =	simm.s32 $0x0  }
0x3: {  	s8 =	simm.s32 $0x5;
	s9 =	simm.s32 $0x80;
	s10 =	simm.s32 $0x6400  }
0x4: {  	s12 =	simm.s32 $0x100;
	s13 =	simm.s32 $0xA400;
	s14 =	simm.s32 $0x180  }
0x5: {  	s15 =	simm.s32 $0xC400;
	s16 =	simm.s32 $0x200;
	s17 =	simm.s32 $0xE400  }
0x6: {  	s18 =	simm.s32 $0x10400;
	s19 =	simm.s32 $0x12400;
	s20 =	simm.s32 $0x14400  }
0x7: {  	s21 =	simm.s32 $0x16400;
	s0 =	sand.u32 $0x1, s0;
	s1 =	sshll.u32 s1, $0x1  }
0x8: {  	s22 =	simm.s32 $0x18400;
	s23 =	simm.s32 $0x1;
	s1 =	sor.u32 s0, s1  }
0x9: {  	s24 =	simm.s32 $0x2;
	s25 =	simm.s32 $0x3;
	s3 =	smul.u32 $0x6400, s1  }
0xa: {  	s26 =	simm.s32 $0x4;
	s28 =	simm.s32 $0x0;
	s0 =	ssub.s32 $0x2, s0  }
0xb: {  	[smem:$0x7FF] =	sst s4;
	s6 =	sshrl.u32 s0, $0x1;
	s1 =	sshrl.u32 s3, $0x3  }
0xc: {  	_ =	strace $0x80000047;
	s0 =	ssub.s32 s0, s6;
	s1 =	sadd.s32 s1, s5  }
0xd: {  	s7 =	smax.u32 s0, $0x1;
	s5 =	sadd.s32 $0xF42E00, s5;
	s6 =	sadd.s32 $0xA00, s1  }
.LBB2_1:
0xe: {  	[tilespmem:s4], [sflag:$0x5] =	stream.linear.gather [hbm4b:s6+s4], $0x6400, $0x38;
	[tilespmem:$0x1A400] =	vst v63  }
0xf: {  	_ =	swait.ge [sflag:s8], $0x6400  }
0x10: {  	[sflag:s8] =	ssyncset.done $0x0  }
0x11: {  	[sflag:s8] =	ssyncadd.s32 $0xFFFF9C00  }
0x12: {  	[tilespmem:s10], [sflag:$0x1] =	stream.indirect.gather [hbm4b:s5+s9], $0x40, s4, s9, $0xb8;
	[tilespmem:$0x1A400] =	vst v63  }
0x13: {  	s0 =	simm.s32 $0x8400  }
0x14: {  	[tilespmem:s0], [sflag:$0x1] =	stream.indirect.gather [hbm4b:s5+s9], $0x40, s9, s9, $0xb8;
	[tilespmem:$0x1A400] =	vst v63  }
0x15: {  	_ = 	snop  }
0x16: {  	[tilespmem:s13], [sflag:$0x1] =	stream.indirect.gather [hbm4b:s5+s9], $0x40, s12, s9, $0xb8;
	[tilespmem:$0x1A400] =	vst v63  }
0x17: {  	_ = 	snop  }
0x18: {  	[tilespmem:s15], [sflag:$0x1] =	stream.indirect.gather [hbm4b:s5+s9], $0x40, s14, s9, $0xb8;
	[tilespmem:$0x1A400] =	vst v63  }
0x19: {  	s29 =	simm.s32 $0x0  }
0x1a: {  	[tilespmem:s17], [sflag:$0x1] =	stream.indirect.gather [hbm4b:s5+s9], $0x40, s16, s9, $0xb8;
	[tilespmem:$0x1A400] =	vst v63  }
.LBB2_2:
0x1b: {  	p0 =	seq.s32 s29, $0x0  }
0x1c: {  	s0 =	simm.s32 @!p0 $0x4  }
0x1d: {  	s31 =	smul.u32 $0x500, s29;
	_ =	swait.ge @!p0 [sflag:s0], $0xA000  }
0x1e: {  	[sflag:s0] =	ssyncset.done @!p0 $0x0  }
0x1f: {  	s30 =	sadd.s32 $0x280, s31;
	[sflag:s0] =	ssyncadd.s32 @!p0 $0xFFFF6000  }
0x20: {  	[tilespmem:s18], [sflag:$0x2] =	stream.indirect.gather [hbm4b:s5+s9], $0x40, s30, s9, $0xb8;
	[tilespmem:$0x1A400] =	vst v63  }
0x21: {  	s1 =	sadd.s32 $0x300, s31  }
0x22: {  	[tilespmem:s19], [sflag:$0x2] =	stream.indirect.gather [hbm4b:s5+s9], $0x40, s1, s9, $0xb8;
	[tilespmem:$0x1A400] =	vst v63  }
0x23: {  	s11 =	sadd.s32 $0x380, s31  }
0x24: {  	[tilespmem:s20], [sflag:$0x2] =	stream.indirect.gather [hbm4b:s5+s9], $0x40, s11, s9, $0xb8;
	[tilespmem:$0x1A400] =	vst v63  }
0x25: {  	s1 =	sadd.s32 $0x400, s31  }
0x26: {  	[tilespmem:s21], [sflag:$0x2] =	stream.indirect.gather [hbm4b:s5+s9], $0x40, s1, s9, $0xb8;
	[tilespmem:$0x1A400] =	vst v63  }
0x27: {  	s11 =	sadd.s32 $0x480, s31  }
0x28: {  	[tilespmem:s22], [sflag:$0x2] =	stream.indirect.gather [hbm4b:s5+s9], $0x40, s11, s9, $0xb8;
	[tilespmem:$0x1A400] =	vst v63  }
0x29: {  	_ =	swait.ge [sflag:s23], $0xA000  }
0x2a: {  	[sflag:s23] =	ssyncset.done $0x0  }
0x2b: {  	s1 =	simm.s32 $0x0;
	[sflag:s23] =	ssyncadd.s32 $0xFFFF6000  }
0x2c: {  	v0 =	vld [tilespmem:s1+$0x6400]  }
0x2d: {  	v1 =	vld [tilespmem:s1+$0x6410]  }
0x2e: {  	v2 =	vld [tilespmem:s1+$0x6420]  }
0x2f: {  	v3 =	vld [tilespmem:s1+$0x6430]  }
0x30: {  	v4 =	vld [tilespmem:s1+$0x6440]  }
0x31: {  	v5 =	vld [tilespmem:s1+$0x6450];
	v0 =	vmul.f32 $8.000000000e+00, v0  }
0x32: {  	v6 =	vld [tilespmem:s1+$0x6460];
	v1 =	vmul.f32 $8.000000000e+00, v1  }
0x33: {  	v7 =	vld [tilespmem:s1+$0x6470];
	[tilespmem:s1+$0x6400] =	vst v0;
	v0 =	vmul.f32 $8.000000000e+00, v2  }
0x34: {  	v8 =	vld [tilespmem:s1+$0x6480];
	[tilespmem:s1+$0x6410] =	vst v1;
	v1 =	vmul.f32 $8.000000000e+00, v3  }
0x35: {  	v9 =	vld [tilespmem:s1+$0x6490];
	[tilespmem:s1+$0x6420] =	vst v0;
	v0 =	vmul.f32 $8.000000000e+00, v4  }
0x36: {  	v2 =	vmul.f32 $8.000000000e+00, v5;
	[tilespmem:s1+$0x6430] =	vst v1;
	v1 =	vld [tilespmem:s1+$0x64A0]  }
0x37: {  	v3 =	vmul.f32 $8.000000000e+00, v6;
	[tilespmem:s1+$0x6440] =	vst v0;
	v0 =	vld [tilespmem:s1+$0x64B0]  }
0x38: {  	[tilespmem:s1+$0x6450] =	vst v2;
	v2 =	vld [tilespmem:s1+$0x64C0];
	v4 =	vmul.f32 $8.000000000e+00, v7  }
0x39: {  	v6 =	vmul.f32 $8.000000000e+00, v8;
	[tilespmem:s1+$0x6460] =	vst v3;
	v3 =	vld [tilespmem:s1+$0x64D0]  }
0x3a: {  	s0 =	simm.s32 $0x400;
	v5 =	vmul.f32 $8.000000000e+00, v9;
	[tilespmem:s1+$0x6470] =	vst v4;
	v4 =	vld [tilespmem:s1+$0x64E0]  }
.LBB2_3:
0x3b: {  	s11 =	sshra.s32 s0, $0x2;
	p0 =	sne.s32 s0, $0x27C00;
	[tilespmem:s1+$0x6480] =	vst v6;
	v1 =	vmul.f32 $8.000000000e+00, v1;
	v6 =	vld [tilespmem:s1+$0x64F0]  }
0x3c: {  	v7 =	vld [tilespmem:s11+$0x6400];
	[tilespmem:s1+$0x6490] =	vst v5;
	v0 =	vmul.f32 $8.000000000e+00, v0  }
0x3d: {  	v5 =	vld [tilespmem:s11+$0x6410];
	[tilespmem:s1+$0x64A0] =	vst v1;
	v1 =	vmul.f32 $8.000000000e+00, v2  }
0x3e: {  	v2 =	vld [tilespmem:s11+$0x6420];
	[tilespmem:s1+$0x64B0] =	vst v0;
	v0 =	vmul.f32 $8.000000000e+00, v3  }
0x3f: {  	v3 =	vld [tilespmem:s11+$0x6430];
	[tilespmem:s1+$0x64C0] =	vst v1;
	v1 =	vmul.f32 $8.000000000e+00, v4  }
0x40: {  	v4 =	vld [tilespmem:s11+$0x6440];
	[tilespmem:s1+$0x64D0] =	vst v0;
	v0 =	vmul.f32 $8.000000000e+00, v6  }
0x41: {  	v6 =	vmul.f32 $8.000000000e+00, v7;
	v7 =	vld [tilespmem:s11+$0x6450];
	[tilespmem:s1+$0x64E0] =	vst v1  }
0x42: {  	v1 =	vmul.f32 $8.000000000e+00, v5;
	v5 =	vld [tilespmem:s11+$0x6460];
	[tilespmem:s1+$0x64F0] =	vst v0;
	s1 =	smov.u32 s11  }
0x43: {  	[tilespmem:s1+$0x6400] =	vst v6;
	v0 =	vmul.f32 $8.000000000e+00, v2;
	v2 =	vld [tilespmem:s1+$0x6470]  }
0x44: {  	[tilespmem:s1+$0x6410] =	vst v1;
	v1 =	vmul.f32 $8.000000000e+00, v3;
	v3 =	vld [tilespmem:s1+$0x6480]  }
0x45: {  	[tilespmem:s1+$0x6420] =	vst v0;
	v0 =	vmul.f32 $8.000000000e+00, v4;
	v4 =	vld [tilespmem:s1+$0x6490]  }
.Ltmp0:
0x46: {  	[tilespmem:s1+$0x6430] =	vst v1;
	v6 =	vmul.f32 $8.000000000e+00, v7;
	v1 =	vld [tilespmem:s1+$0x64A0];
	(pc) =	sbr.rel @p0 .LBB2_3-.Ltmp0, $4  }
0x47: {  	[tilespmem:s1+$0x6440] =	vst v0;
	v5 =	vmul.f32 $8.000000000e+00, v5;
	v0 =	vld [tilespmem:s1+$0x64B0]  }
0x48: {  	[tilespmem:s1+$0x6450] =	vst v6;
	v7 =	vmul.f32 $8.000000000e+00, v2;
	v2 =	vld [tilespmem:s1+$0x64C0]  }
0x49: {  	[tilespmem:s1+$0x6460] =	vst v5;
	v6 =	vmul.f32 $8.000000000e+00, v3;
	v3 =	vld [tilespmem:s1+$0x64D0]  }
0x4a: {  	s0 =	sadd.s32 $0x400, s0;
	[tilespmem:s1+$0x6470] =	vst v7;
	v5 =	vmul.f32 $8.000000000e+00, v4;
	v4 =	vld [tilespmem:s1+$0x64E0]  }
0x4b: {  	[tilespmem:s1+$0x6480] =	vst v6;
	v1 =	vmul.f32 $8.000000000e+00, v1;
	v6 =	vld [tilespmem:s1+$0x64F0]  }
0x4c: {  	[tilespmem:s1+$0x6490] =	vst v5;
	v0 =	vmul.f32 $8.000000000e+00, v0  }
0x4d: {  	[tilespmem:s1+$0x64A0] =	vst v1;
	v1 =	vmul.f32 $8.000000000e+00, v2  }
0x4e: {  	[tilespmem:s1+$0x64B0] =	vst v0;
	v0 =	vmul.f32 $8.000000000e+00, v3  }
0x4f: {  	[tilespmem:s1+$0x64C0] =	vst v1;
	v1 =	vmul.f32 $8.000000000e+00, v4  }
0x50: {  	s0 =	sadd.s32 s3, s31;
	[tilespmem:s1+$0x64D0] =	vst v0;
	v0 =	vmul.f32 $8.000000000e+00, v6  }
0x51: {  	s0 =	sshll.u32 s0, $0x3;
	[tilespmem:s1+$0x64E0] =	vst v1  }
0x52: {  	p0 =	seq.s32 s29, $0x13;
	s0 =	sadd.s32 s2, s0;
	[tilespmem:s1+$0x64F0] =	vst v0  }
0x53: {  	[hbm4b:s0+s4] =	stream.linear.scatter [tilespmem:s10], [sflag:$0x3], $0xA000, $0x38;
	[tilespmem:$0x1A400] =	vst v63  }
0x54: {  	s0 =	simm.s32 @!p0 $0x3  }
0x55: {  	_ =	swait.ge @!p0 [sflag:s0], $0xA000  }
0x56: {  	s11 =	simm.s32 @!p0 $0x6400;
	[sflag:s0] =	ssyncset.done @!p0 $0x0  }
0x57: {  	s1 =	simm.s32 @!p0 $0x80;
	[sflag:s0] =	ssyncadd.s32 @!p0 $0xFFFF6000;
	s0 =	sadd.s32 @!p0 $0x500, s31  }
0x58: {  	[tilespmem:s11], [sflag:$0x1] =	stream.indirect.gather @!p0 [hbm4b:s5+s1], $0x40, s0, s1, $0xb8;
	[tilespmem:$0x1A400] =	vst v63  }
0x59: {  	s0 =	sadd.s32 @!p0 $0x580, s31;
	s11 =	simm.s32 @!p0 $0x8400  }
0x5a: {  	[tilespmem:s11], [sflag:$0x1] =	stream.indirect.gather @!p0 [hbm4b:s5+s1], $0x40, s0, s1, $0xb8;
	[tilespmem:$0x1A400] =	vst v63  }
0x5b: {  	s0 =	sadd.s32 @!p0 $0x600, s31;
	s11 =	simm.s32 @!p0 $0xA400  }
0x5c: {  	[tilespmem:s11], [sflag:$0x1] =	stream.indirect.gather @!p0 [hbm4b:s5+s1], $0x40, s0, s1, $0xb8;
	[tilespmem:$0x1A400] =	vst v63  }
0x5d: {  	s0 =	sadd.s32 @!p0 $0x680, s31;
	s11 =	simm.s32 @!p0 $0xC400  }
0x5e: {  	[tilespmem:s11], [sflag:$0x1] =	stream.indirect.gather @!p0 [hbm4b:s5+s1], $0x40, s0, s1, $0xb8;
	[tilespmem:$0x1A400] =	vst v63  }
0x5f: {  	s0 =	sadd.s32 @!p0 $0x700, s31;
	s11 =	simm.s32 @!p0 $0xE400  }
0x60: {  	[tilespmem:s11], [sflag:$0x1] =	stream.indirect.gather @!p0 [hbm4b:s5+s1], $0x40, s0, s1, $0xb8;
	[tilespmem:$0x1A400] =	vst v63  }
0x61: {  	_ =	swait.ge [sflag:s24], $0xA000  }
0x62: {  	[sflag:s24] =	ssyncset.done $0x0  }
0x63: {  	s31 =	simm.s32 $0x0;
	[sflag:s24] =	ssyncadd.s32 $0xFFFF6000  }
0x64: {  	v0 =	vld [tilespmem:s31+$0x10400]  }
0x65: {  	v1 =	vld [tilespmem:s31+$0x10410]  }
0x66: {  	v2 =	vld [tilespmem:s31+$0x10420]  }
0x67: {  	v3 =	vld [tilespmem:s31+$0x10430]  }
0x68: {  	v4 =	vld [tilespmem:s31+$0x10440]  }
0x69: {  	v5 =	vld [tilespmem:s31+$0x10450];
	v0 =	vmul.f32 $8.000000000e+00, v0  }
0x6a: {  	v6 =	vld [tilespmem:s31+$0x10460];
	v1 =	vmul.f32 $8.000000000e+00, v1  }
0x6b: {  	v7 =	vld [tilespmem:s31+$0x10470];
	[tilespmem:s31+$0x10400] =	vst v0;
	v0 =	vmul.f32 $8.000000000e+00, v2  }
0x6c: {  	v8 =	vld [tilespmem:s31+$0x10480];
	[tilespmem:s31+$0x10410] =	vst v1;
	v1 =	vmul.f32 $8.000000000e+00, v3  }
0x6d: {  	v9 =	vld [tilespmem:s31+$0x10490];
	[tilespmem:s31+$0x10420] =	vst v0;
	v0 =	vmul.f32 $8.000000000e+00, v4  }
0x6e: {  	v2 =	vmul.f32 $8.000000000e+00, v5;
	[tilespmem:s31+$0x10430] =	vst v1;
	v1 =	vld [tilespmem:s31+$0x104A0]  }
0x6f: {  	v3 =	vmul.f32 $8.000000000e+00, v6;
	[tilespmem:s31+$0x10440] =	vst v0;
	v0 =	vld [tilespmem:s31+$0x104B0]  }
0x70: {  	[tilespmem:s31+$0x10450] =	vst v2;
	v2 =	vld [tilespmem:s31+$0x104C0];
	v4 =	vmul.f32 $8.000000000e+00, v7  }
0x71: {  	v6 =	vmul.f32 $8.000000000e+00, v8;
	[tilespmem:s31+$0x10460] =	vst v3;
	v3 =	vld [tilespmem:s31+$0x104D0]  }
0x72: {  	s0 =	simm.s32 $0x400;
	v5 =	vmul.f32 $8.000000000e+00, v9;
	[tilespmem:s31+$0x10470] =	vst v4;
	v4 =	vld [tilespmem:s31+$0x104E0]  }
.LBB2_5:
0x73: {  	s1 =	sshra.s32 s0, $0x2;
	p0 =	sne.s32 s0, $0x27C00;
	[tilespmem:s31+$0x10480] =	vst v6;
	v1 =	vmul.f32 $8.000000000e+00, v1;
	v6 =	vld [tilespmem:s31+$0x104F0]  }
0x74: {  	v7 =	vld [tilespmem:s1+$0x10400];
	[tilespmem:s31+$0x10490] =	vst v5;
	v0 =	vmul.f32 $8.000000000e+00, v0  }
0x75: {  	v5 =	vld [tilespmem:s1+$0x10410];
	[tilespmem:s31+$0x104A0] =	vst v1;
	v1 =	vmul.f32 $8.000000000e+00, v2  }
0x76: {  	v2 =	vld [tilespmem:s1+$0x10420];
	[tilespmem:s31+$0x104B0] =	vst v0;
	v0 =	vmul.f32 $8.000000000e+00, v3  }
0x77: {  	v3 =	vld [tilespmem:s1+$0x10430];
	[tilespmem:s31+$0x104C0] =	vst v1;
	v1 =	vmul.f32 $8.000000000e+00, v4  }
0x78: {  	v4 =	vld [tilespmem:s1+$0x10440];
	[tilespmem:s31+$0x104D0] =	vst v0;
	v0 =	vmul.f32 $8.000000000e+00, v6  }
0x79: {  	v6 =	vmul.f32 $8.000000000e+00, v7;
	v7 =	vld [tilespmem:s1+$0x10450];
	[tilespmem:s31+$0x104E0] =	vst v1  }
0x7a: {  	v1 =	vmul.f32 $8.000000000e+00, v5;
	v5 =	vld [tilespmem:s1+$0x10460];
	[tilespmem:s31+$0x104F0] =	vst v0;
	s31 =	smov.u32 s1  }
0x7b: {  	[tilespmem:s31+$0x10400] =	vst v6;
	v0 =	vmul.f32 $8.000000000e+00, v2;
	v2 =	vld [tilespmem:s31+$0x10470]  }
0x7c: {  	[tilespmem:s31+$0x10410] =	vst v1;
	v1 =	vmul.f32 $8.000000000e+00, v3;
	v3 =	vld [tilespmem:s31+$0x10480]  }
0x7d: {  	[tilespmem:s31+$0x10420] =	vst v0;
	v0 =	vmul.f32 $8.000000000e+00, v4;
	v4 =	vld [tilespmem:s31+$0x10490]  }
.Ltmp1:
0x7e: {  	[tilespmem:s31+$0x10430] =	vst v1;
	v6 =	vmul.f32 $8.000000000e+00, v7;
	v1 =	vld [tilespmem:s31+$0x104A0];
	(pc) =	sbr.rel @p0 .LBB2_5-.Ltmp1, $4  }
0x7f: {  	[tilespmem:s31+$0x10440] =	vst v0;
	v5 =	vmul.f32 $8.000000000e+00, v5;
	v0 =	vld [tilespmem:s31+$0x104B0]  }
0x80: {  	[tilespmem:s31+$0x10450] =	vst v6;
	v7 =	vmul.f32 $8.000000000e+00, v2;
	v2 =	vld [tilespmem:s31+$0x104C0]  }
0x81: {  	[tilespmem:s31+$0x10460] =	vst v5;
	v6 =	vmul.f32 $8.000000000e+00, v3;
	v3 =	vld [tilespmem:s31+$0x104D0]  }
0x82: {  	s0 =	sadd.s32 $0x400, s0;
	[tilespmem:s31+$0x10470] =	vst v7;
	v5 =	vmul.f32 $8.000000000e+00, v4;
	v4 =	vld [tilespmem:s31+$0x104E0]  }
0x83: {  	[tilespmem:s31+$0x10480] =	vst v6;
	v1 =	vmul.f32 $8.000000000e+00, v1;
	v59 =	vld [tilespmem:s31+$0x104F0]  }
0x84: {  	[tilespmem:s31+$0x10490] =	vst v5;
	v0 =	vmul.f32 $8.000000000e+00, v0  }
0x85: {  	s29 =	sadd.s32 $0x1, s29;
	[tilespmem:s31+$0x104A0] =	vst v1;
	v60 =	vmul.f32 $8.000000000e+00, v2  }
0x86: {  	p0 =	sne.s32 s29, $0x14;
	[tilespmem:s31+$0x104B0] =	vst v0;
	v61 =	vmul.f32 $8.000000000e+00, v3  }
.Ltmp2:
0x87: {  	s0 =	sadd.s32 s3, s30;
	[tilespmem:s31+$0x104C0] =	vst v60;
	v62 =	vmul.f32 $8.000000000e+00, v4;
	(pc) =	sbr.rel @p0 .LBB2_2-.Ltmp2, $4  }
0x88: {  	s0 =	sshll.u32 s0, $0x3;
	[tilespmem:s31+$0x104D0] =	vst v61;
	v63 =	vmul.f32 $8.000000000e+00, v59  }
0x89: {  	s0 =	sand.u32 $0x1FFFFC00, s0;
	[tilespmem:s31+$0x104E0] =	vst v62  }
0x8a: {  	s0 =	sadd.s32 s2, s0;
	[tilespmem:s31+$0x104F0] =	vst v63  }
0x8b: {  	[hbm4b:s0+s4] =	stream.linear.scatter [tilespmem:s18], [sflag:$0x4], $0xA000, $0x38;
	[tilespmem:$0x1A400] =	vst v63  }
0x8c: {  	s28 =	sadd.s32 $0x1, s28  }
0x8d: {  	_ =	swait.ge [sflag:s25], $0xA000;
	p0 =	sne.s32 s28, s7  }
.Ltmp3:
0x8e: {  	[sflag:s25] =	ssyncset.done $0x0;
	(pc) =	sbr.rel @p0 .LBB2_1-.Ltmp3, $4  }
0x8f: {  	[sflag:s25] =	ssyncadd.s32 $0xFFFF6000  }
0x90: {  	_ =	swait.ge [sflag:s26], $0xA000  }
0x91: {  	[sflag:s26] =	ssyncset.done $0x0  }
0x92: {  	[sflag:s26] =	ssyncadd.s32 $0xFFFF6000  }
0x93: {  	_ =	sfence.sel $0x180000  }
0x94: {  	[bflag:$0x0] =	sbarrier.arrive $0xFFFF  }
0x95: {  	_ =	strace $0x90000047  }
0x96: {  	s0 =	stileid.u32;
	[bflag:$0x2] =	sbarrier.arrive $0xFFFF  }
0x97: {  	p0 =	sne.s32 s0, $0x0;
	s0 =	rddreg [dreg:$0x2]  }
0x98: {  	s0 =	sadd.s32 @!p0 $0x100000, s0  }
0x99: {  	[sflag:s0] =	ssyncadd.tile.s32 @!p0 $0x1;
	_ =	shalt  }
.Lfunc_end2:
_tile_overlayer_lowered:
.L_overlay_start_2:
0x9a: {  	(tag) =	ssettag $0x2  }
0x9b: {  	s0 =	rddreg [dreg:$0x0];
	s2 =	stileid.u32  }
0x9c: {  	s1 =	rddreg [dreg:$0x1];
	p0 =	sne.s32 s2, $0x0  }
0x9d: {  	s3 =	rddreg [dreg:$0x2];
	[bflag:$0x3] =	sbarrier.arrive $0xFFFF;
	s2 =	simm.s32 @!p0 $0x1C05  }
0x9e: {  	[timem:s3], [sflag:s2] =	dma.local @!p0 [hbm:s0], s1  }
0x9f: {  	s0 =	simm.s32 @!p0 $0x5  }
0xa0: {  	_ =	swait.ge @!p0 [sflag:s0], s1  }
0xa1: {  	s1 =	ssub.s32 @!p0 $0x0, s1;
	[sflag:s0] =	ssyncset.done @!p0 $0x0  }
0xa2: {  	[sflag:s0] =	ssyncadd.s32 @!p0 s1  }
0xa3: {  	[bflag:$0x3] =	sbarrier.arrive $0xFFFF  }
0xa4: {  	_ =	shalt  }

// kernel: sparse-core-data-format-call.cloned.1.call-start
scs
called_computation_lowered:
.L_overlay_start_0:
0x0: {  	s2 =	sld [smem:$0x3FD9]  }
0x1: {  	s3 =	sld [smem:$0x3FFE];
	_ =	sdelay $0x1  }
0x2: {  	s1 =	srdreg.scid  }
0x3: {  	s0 =	sand.u32 $0x1, s1  }
0x4: {  	s18 =	sshll.u32 s0, $0xA;
	s2 =	sadd.s32 s3, s2  }
0x5: {  	s2 =	sadd.s32 s2, s18  }
0x6: {  	[smem:$0x3FC6] =	sst s2  }
0x7: {  	_ = 	snop  }
0x8: {  	s2 =	sld [smem:$0x3FD0];
	(tm) =	ssettm $0x1  }
0x9: {  	s19 =	sld [smem:$0x3FFB];
	_ =	sdelay $0x3  }
0xa: {  	_ =	strace s19  }
0xb: {  	s3 =	sld [smem:$0x3FFC];
	_ =	sdelay $0x3  }
0xc: {  	_ =	strace s3  }
0xd: {  	s3 =	sld [smem:$0x3FFD];
	_ =	sdelay $0x3  }
0xe: {  	_ =	strace s3  }
0xf: {  	_ =	strace $0x8FFFFFFF  }
0x10: {  	s20 =	sld [smem:$0x3FDB];
	_ =	sdelay $0x1  }
0x11: {  	s4 =	simm.s32 $_scs_section_size  }
0x12: {  	s5 =	simm.s32 $_size__tile_overlayer_lowered;
	s6 =	simm.s32 $_tile_overlayer_lowered  }
0x13: {  	s23 =	simm.s32 $0x1BFF;
	s22 =	sshll.u32 s6, $0x1;
	s3 =	sadd.s32 s4, s20  }
0x14: {  	s7 =	simm.s32 $0x0;
	s21 =	sshll.u32 s5, $0x1;
	s5 =	sadd.s32 s22, s3  }
0x15: {  	[timem:s7], [sflag:s23] =	dma.local [hbm:s5], s21  }
0x16: {  	_ =	swait.ge [sflag:s23], s21  }
0x17: {  	s4 =	ssub.s32 $0x0, s21;
	[sflag:s23] =	ssyncset.done $0x0  }
0x18: {  	[sflag:s23] =	ssyncadd.s32 s4;
	_ =	sdelay $0x1  }
0x19: {  	s24 =	simm.s32 $0x1B8B  }
0x1a: {  	_ =	swait.ge [sflag:s24], $0x1  }
0x1b: {  	[sflag:s24] =	ssyncset.done $0x0  }
0x1c: {  	s26 =	simm.s32 $0x1B8E;
	s25 =	sld [smem:$0x3FFE];
	[sflag:s24] =	ssyncadd.s32 $0xFFFFFFFF  }
0x1d: {  	s27 =	simm.s32 $execute0_lowered;
	[smem:$0x3FD2] =	sst s26  }
0x1e: {  	s5 =	sshll.u32 s27, $0x1;
	_ =	strace $0x80000049;
	[dreg:$0x1] =	wrdreg $0xFFFFFFFF  }
0x1f: {  	s28 =	simm.s32 $_size_execute0_lowered;
	s3 =	sadd.s32 s3, s5;
	[dreg:$0x0] =	wrdreg $0x0  }
0x20: {  	s5 =	sshll.u32 s28, $0x1;
	[dreg:$0x2] =	wrdreg s3  }
0x21: {  	[dreg:$0x3] =	wrdreg s5  }
0x22: {  	[dreg:$0x4] =	wrdreg $0xC0  }
0x23: {  	_ =	task [dreg:s7], $0x5FFFF  }
0x24: {  	[dreg:$0x1] =	wrdreg $0xFFFFFFFF  }
0x25: {  	[dreg:$0x0] =	wrdreg $0x60  }
0x26: {  	[dreg:$0x2] =	wrdreg s25  }
0x27: {  	[dreg:$0x3] =	wrdreg s2  }
0x28: {  	[dreg:$0x4] =	wrdreg $0x9  }
0x29: {  	_ =	task.clear_ibuf [dreg:s7], $0x5FFFF;
	_ =	strace $0x90000049  }
0x2a: {  	s29 =	simm.s32 $0x9;
	_ =	strace $0x8000004B  }
0x2b: {  	_ =	swait.ge [sflag:s29], $0x1  }
0x2c: {  	[sflag:s29] =	ssyncadd.s32 $0xFFFFFFFF  }
0x2d: {  	_ =	strace $0x9000004B  }
0x2e: {  	_ =	sfence  }
0x2f: {  	s30 =	sld [smem:$0x0];
	_ =	sdelay $0x2  }
0x30: {  	s31 =	sshll.u32 s1, $0xD;
	s1 =	sshrl.u32 s1, $0x2  }
0x31: {  	s3 =	sand.u32 $0x4000, s31;
	s1 =	sadd.s32 s1, s30  }
0x32: {  	s0 =	sor.u32 s3, s0;
	s1 =	sshll.u32 s1, $0x11  }
0x33: {  	s0 =	sor.u32 s1, s0  }
0x34: {  	s0 =	sadd.s32 $0x8F2B, s0  }
0x35: {  	[sflag:s0] =	ssyncadd.remote.s32 $0x1  }
0x36: {  	_ =	sfence.sel $0xFFFF  }
0x37: {  	[dreg:$0x0] =	wrdreg $0xFFFFFFFF;
	(pc) =	sbr.abs _section_cstart, $3  }
0x38: {  	[dreg:$0x1] =	wrdreg $0xFFFFFFFF  }
0x39: {  	_ =	task.clear_ibuf [dreg:s7], $0x2FFFF;
	_ =	strace $0x9FFFFFFF  }
0x3a: {  	(tm) =	ssettm $0x7FFFFFFF  }
0x3b: {  	_ =	shalt  }
tec
execute0_lowered:
.L_overlay_start_1:
0x0: {  	(tag) =	ssettag $0x1  }
0x1: {  	s0 =	srdreg.scid  }
0x2: {  	s1 =	sshll.u32 s0, $0x4  }
0x3: {  	s0 =	stileid.u32;
	s1 =	sand.u32 $0x10, s1  }
0x4: {  	s1 =	sor.u32 s0, s1  }
0x5: {  	s6 =	rddreg [dreg:$0x0];
	s4 =	simm.s32 $0x1;
	s2 =	sshll.u32 s1, $0x7  }
0x6: {  	s7 =	simm.s32 $0x2;
	s12 =	simm.s32 $0x0;
	s1 =	ssub.s32 $0x1000, s2  }
0x7: {  	s8 =	simm.s32 $0x8000;
	s13 =	simm.s32 $0x0;
	s3 =	sand.u32 $0xF80, s1  }
0x8: {  	s9 =	simm.s32 $0x0;
	s5 =	sshrl.u32 s1, $0xC;
	p0 =	sne.s32 s3, $0x0  }
.Ltmp0:
0x9: {  	s1 =	rddreg [dreg:$0x2];
	s4 =	simm.s32 @!p0 $0x0;
	(pc) =	sbr.rel .LBB1_1-.Ltmp0, $4  }
0xa: {  	s11 =	simm.s32 $0x0;
	s3 =	rddreg [dreg:$0x1];
	s5 =	sadd.s32 s4, s5  }
0xb: {  	_ =	strace $0x8000004A;
	s4 =	simm.s32 $0x1;
	s5 =	smul.u32 $0xC8, s5  }
0xc: {  	s6 =	sadd.s32 $0xA00, s6;
	s10 =	smov.u32 s2;
	[sflag:s4] =	ssyncpa.u1 $0x0  }
0xd: {  	p0 =	por $0x0, $0x0;
	[sflag:s7] =	ssyncpa.u1 $0x0;
	s7 =	sor.u32 $0x1, s5  }
.LBB1_4:
0xe: {  	s16 =	sshll.u32 s13, $0x3;
	s17 =	sand.u32 $0x78, s13  }
0xf: {  	s30 =	sand.u32 $0x7E00, s13;
	s12 =	sshll.u32 s12, $0xF;
	s16 =	sand.u32 $0xC00, s16  }
0x10: {  	[tilespmem:s15+$0x810 ss:$0x81] =	vst.msk $0xffff, v2;
	s31 =	sand.u32 $0x7, s13;
	s16 =	sor.u32 s17, s16;
	s17 =	sadd.s32 s3, s30  }
0x11: {  	[tilespmem:s15+$0x1020 ss:$0x81] =	vst.msk $0xffff, v0;
	s13 =	sshll.u32 s31, $0x12;
	s12 =	sadd.s32 s12, s17;
	s16 =	sshrl.u32 s16, $0x3  }
0x12: {  	[tilespmem:s15+$0x0 ss:$0x81] =	vst.msk $0xffff, v1;
	s13 =	sor.u32 $0x400, s13;
	s12 =	sadd.s32 s16, s12  }
0x13: {  	[hbm4b:s12+s13] =	stream.strided.scatter [tilespmem:s14], [sflag:$0x2], $0x2000, s8, s13, $0x20;
	[tilespmem:$0x8080] =	vst v63  }
.LBB1_5:
0x14: {  	s14 =	sadd.s32 $0x1, s9  }
0x15: {  	s12 =	sadd.s32 $0x1000, s10;
	s16 =	smov.u32 s10;
	p2 =	sgt.s32 s14, $0xC7  }
0x16: {  	s16 =	smov.u32 @p2 s12  }
0x17: {  	s14 =	simm.s32 @p2 $0x0;
	p2 =	sgt.s32 s16, $0xFFF  }
0x18: {  	s16 =	smov.u32 @p2 s2;
	p2 =	sne.s32 s11, s7  }
.Ltmp1:
0x19: {  	p1 =	slt.u32 s11, $0x2;
	(pc) =	sbr.rel @!p2 .LBB1_6-.Ltmp1, $4  }
0x1a: {  	s15 =	simm.s32 @!p1 $0x2  }
0x1b: {  	s13 =	smov.u32 s10;
	p0 =	por !p0, !p0;
	_ =	swait.ge @!p1 [sflag:s15], $0x2000  }
0x1c: {  	s12 =	smov.u32 s9;
	[sflag:s15] =	ssyncset.done @!p1 $0x0;
	s9 =	smov.u32 s14  }
0x1d: {  	s11 =	sadd.s32 $0x1, s11;
	[sflag:s15] =	ssyncadd.s32 @!p1 $0xFFFFE000;
	s10 =	smov.u32 s16  }
.LBB1_1:
0x1e: {  	p1 =	sge.u32 s11, s5  }
0x1f: {  	s14 =	sand.u32 @!p1 $0x1FFFFFF, s9  }
0x20: {  	s15 =	smulhi.u32 @!p1 $0x147AE15, s14;
	_ =	sdelay $0x1  }
0x21: {  	s15 =	smul.u32 @!p1 $0xC8, s15  }
0x22: {  	s16 =	sxor.u32 @!p1 $0xFFFFFFFF, s11;
	s17 =	smul.u32 @!p1 $0xC80, s10  }
0x23: {  	s31 =	sadd.s32 $0xFFFFFFFF, s11;
	s16 =	sshll.u32 @!p1 s16, $0xD;
	s14 =	ssub.s32 @!p1 s14, s15  }
0x24: {  	s15 =	sand.u32 @!p1 $0x2000, s16;
	s16 =	sadd.s32 @!p1 s6, s17;
	s14 =	sshll.u32 @!p1 s14, $0x4  }
0x25: {  	s17 =	simm.s32 @!p1 $0x6400;
	s14 =	sadd.s32 @!p1 s14, s16;
	s16 =	simm.s32 @!p1 $0x40  }
0x26: {  	[tilespmem:s15], [sflag:$0x1] =	stream.strided.gather @!p1 [hbm4b:s14+s16], $0x2000, s17, s16, $0x38;
	[tilespmem:$0x8080] =	vst v63  }
0x27: {  	p1 =	sge.u32 s31, s5  }
.Ltmp2:
0x28: {  	_ = 	snop;
	(pc) =	sbr.rel @p1 .LBB1_5-.Ltmp2, $1  }
0x29: {  	_ =	sdelay $0x3  }
0x2a: {  	s14 =	simm.s32 $0x1  }
0x2b: {  	_ =	swait.ge [sflag:s4], $0x2000;
	s14 =	simm.s32 @!p0 $0x0  }
0x2c: {  	[sflag:s4] =	ssyncset.done $0x0;
	s15 =	sshll.u32 s14, $0xD  }
0x2d: {  	[sflag:s4] =	ssyncadd.s32 $0xFFFFE000;
	s18 =	sor.u32 $0x20, s15  }
0x2e: {  	s14 =	smul.u32 $0x8100, s14;
	v3 =	vld [tilespmem:s18+$0x10]  }
0x2f: {  	s30 =	sand.u32 $0x1, s11;
	v2 =	vld [tilespmem:s18+$0xFFFFFFF0]  }
0x30: {  	s15 =	smul.u32 $0x8100, s30;
	s14 =	sshrl.u32 s14, $0x2;
	v0 =	vld [tilespmem:s18+$0x0]  }
0x31: {  	v1 =	vld [tilespmem:s18+$0xFFFFFFE0];
	s16 =	sor.u32 $0x4000, s14  }
0x32: {  	s31 =	sshrl.u32 s15, $0x2;
	s15 =	sadd.s32 $0x0, s16  }
0x33: {  	s17 =	simm.s32 $0x4;
	s18 =	sadd.s32 $0x40, s18;
	s14 =	sor.u32 $0x4000, s31;
	[tilespmem:s15+$0x1830 ss:$0x81] =	vst.msk $0xffff, v3  }
.LBB1_3:
0x34: {  	v3 =	vld [tilespmem:s18+$0x10];
	p1 =	sne.s32 s17, $0x1FC;
	[tilespmem:s15+$0x810 ss:$0x81] =	vst.msk $0xffff, v2;
	s19 =	smov.u32 s17;
	s17 =	sadd.s32 $0x4, s17  }
.Ltmp3:
0x35: {  	v2 =	vld [tilespmem:s18+$0xFFFFFFF0];
	[tilespmem:s15+$0x1020 ss:$0x81] =	vst.msk $0xffff, v0;
	(pc) =	sbr.rel @p1 .LBB1_3-.Ltmp3, $4  }
0x36: {  	v0 =	vld [tilespmem:s18+$0x0];
	[tilespmem:s15+$0x0 ss:$0x81] =	vst.msk $0xffff, v1  }
0x37: {  	s15 =	sshra.s32 s19, $0x2;
	v1 =	vld [tilespmem:s18+$0xFFFFFFE0]  }
0x38: {  	s15 =	sadd.s32 s15, s16  }
0x39: {  	s18 =	sadd.s32 $0x40, s18;
	[tilespmem:s15+$0x1830 ss:$0x81] =	vst.msk $0xffff, v3  }
.Ltmp4:
0x3a: {  	_ = 	snop;
	(pc) =	sbr.rel .LBB1_4-.Ltmp4, $1  }
0x3b: {  	_ =	sdelay $0x3  }
.LBB1_6:
0x3c: {  	_ =	sfence.sel $0x180000  }
0x3d: {  	s2 =	simm.s32 $0x1;
	[bflag:$0x0] =	sbarrier.arrive $0xFFFF  }
0x3e: {  	s31 =	simm.s32 $0x2;
	[sflag:s2] =	ssyncpa.u1 $0x1  }
0x3f: {  	[sflag:s31] =	ssyncpa.u1 $0x1  }
0x40: {  	p0 =	sne.s32 s0, $0x0;
	_ =	strace $0x9000004A  }
0x41: {  	s0 =	sadd.s32 @!p0 $0x100000, s1;
	[bflag:$0x2] =	sbarrier.arrive $0xFFFF  }
0x42: {  	[sflag:s0] =	ssyncadd.tile.s32 @!p0 $0x1;
	_ =	shalt  }
.Lfunc_end1:
_tile_overlayer_lowered:
.L_overlay_start_2:
0x43: {  	(tag) =	ssettag $0x2  }
0x44: {  	s0 =	rddreg [dreg:$0x0];
	s2 =	stileid.u32  }
0x45: {  	s1 =	rddreg [dreg:$0x1];
	p0 =	sne.s32 s2, $0x0  }
0x46: {  	s3 =	rddreg [dreg:$0x2];
	[bflag:$0x3] =	sbarrier.arrive $0xFFFF;
	s2 =	simm.s32 @!p0 $0x1C01  }
0x47: {  	[timem:s3], [sflag:s2] =	dma.local @!p0 [hbm:s0], s1  }
0x48: {  	s0 =	simm.s32 @!p0 $0x1  }
0x49: {  	_ =	swait.ge @!p0 [sflag:s0], s1  }
0x4a: {  	s1 =	ssub.s32 @!p0 $0x0, s1;
	[sflag:s0] =	ssyncset.done @!p0 $0x0  }
0x4b: {  	[sflag:s0] =	ssyncadd.s32 @!p0 s1  }
0x4c: {  	[bflag:$0x3] =	sbarrier.arrive $0xFFFF  }
0x4d: {  	_ =	shalt  }

</sc_bundles>
